<compile_context>
chip_gen: v7x
topology: tpu7x:2x2x1
jax: 0.10.2.dev20260603
libtpu: 0.0.44.dev20260713+nightly
codegen_flags: <defaults>
</compile_context>

<pallas_src>
import jax
import jax.numpy as jnp
from jax.experimental import pallas as pl
from jax.experimental.pallas import tpu as pltpu

_N = 20000
_K = 4096
_B = 128
_NB = _K // _B
_POST = 100
_THR = 0.7
_SCORE_T = 0.05
_IMG = 1024.0


def _nms_body(a_ref, w_ref, keep_ref, sup_ref):
    sub = jax.lax.broadcasted_iota(jnp.int32, (_B, _B), 0)
    lan = jax.lax.broadcasted_iota(jnp.int32, (_B, _B), 1)
    eye = (sub == lan).astype(jnp.float32)

    x0w = w_ref[0:1, :]
    y0w = w_ref[1:2, :]
    x1w = w_ref[2:3, :]
    y1w = w_ref[3:4, :]
    areaw = w_ref[5:6, :]

    sup_ref[...] = jnp.zeros((_NB, 1, _B), jnp.float32)

    def tcol(row):
        return jnp.sum(eye * row, axis=1, keepdims=True)

    def block_j(j, carry):
        Aj = a_ref[pl.ds(j, 1)].reshape(8, _B)
        x0c, y0c, x1c, y1c = Aj[0:1], Aj[1:2], Aj[2:3], Aj[3:4]
        validj, areac = Aj[4:5], Aj[5:6]
        x0r, y0r, x1r, y1r = tcol(x0c), tcol(y0c), tcol(x1c), tcol(y1c)
        area_r = tcol(areac)

        wj = jnp.maximum(jnp.minimum(x1r, x1c) - jnp.maximum(x0r, x0c), 0.0)
        hj = jnp.maximum(jnp.minimum(y1r, y1c) - jnp.maximum(y0r, y0c), 0.0)
        interj = wj * hj
        unionj = jnp.maximum(area_r + areac - interj, 1e-8)
        Mf = ((interj > _THR * unionj) & (lan < sub)).astype(jnp.float32)

        supj = sup_ref[pl.ds(j, 1)].reshape(1, _B)
        v0_row = jnp.where(supj > 0.0, 0.0, validj)
        v0c = tcol(v0_row)

        def fix_body(state):
            kc, _ = state
            supv = jnp.dot(Mf, kc, preferred_element_type=jnp.float32)
            knew = jnp.where(supv > 0.0, 0.0, v0c)
            changed = jnp.max(jnp.abs(knew - kc))
            return knew, changed

        kcol, _ = jax.lax.while_loop(
            lambda s: s[1] > 0.0, fix_body, (v0c, jnp.float32(1.0)))

        kv = jnp.sum(eye * kcol, axis=0, keepdims=True)
        keep_ref[pl.ds(j, 1)] = kv[None]

        kq = _K // 4
        nbq = kq // _B
        for q in range(4):
            c0 = q * kq

            @pl.when(j < q * nbq + nbq - 1)
            def _():
                x0q = w_ref[0:1, c0:c0 + kq]
                y0q = w_ref[1:2, c0:c0 + kq]
                x1q = w_ref[2:3, c0:c0 + kq]
                y1q = w_ref[3:4, c0:c0 + kq]
                areaq = w_ref[5:6, c0:c0 + kq]
                ww = jnp.maximum(
                    jnp.minimum(x1r, x1q) - jnp.maximum(x0r, x0q), 0.0)
                hw = jnp.maximum(
                    jnp.minimum(y1r, y1q) - jnp.maximum(y0r, y0q), 0.0)
                interw = ww * hw
                unionw = jnp.maximum(area_r + areaq - interw, 1e-8)
                mw = (interw > _THR * unionw).astype(jnp.float32) * kcol
                upd = jnp.max(mw, axis=0, keepdims=True)
                posq = c0 + jax.lax.broadcasted_iota(jnp.int32, (1, kq), 1)
                upd = jnp.where(posq >= (j + 1) * _B, upd, 0.0)
                for k in range(nbq):
                    kk = q * nbq + k
                    chunk = upd[:, k * _B:(k + 1) * _B][None]
                    sup_ref[kk:kk + 1] = jnp.maximum(
                        sup_ref[kk:kk + 1], chunk)
        return carry

    jax.lax.fori_loop(0, _NB, block_j, 0)


def kernel(boxes, scores):
    boxes = jnp.clip(boxes, 0.0, _IMG)
    scores = jnp.where(scores >= _SCORE_T, scores, 0.0)
    top_scores, idx = jax.lax.top_k(scores, _K)
    top_boxes = jnp.take(boxes, idx, axis=0)

    coords_w = top_boxes.T
    valid_w = (top_scores > 0.0).astype(jnp.float32)[None]
    area_w = ((coords_w[2:3] - coords_w[0:1])
              * (coords_w[3:4] - coords_w[1:2]))
    W = jnp.concatenate(
        [coords_w, valid_w, area_w, jnp.zeros((2, _K), jnp.float32)], axis=0)
    A = W.reshape(8, _NB, _B).transpose(1, 0, 2)

    keep = pl.pallas_call(
        _nms_body,
        out_shape=jax.ShapeDtypeStruct((_NB, 1, _B), jnp.float32),
        scratch_shapes=[
            pltpu.VMEM((_NB, 1, _B), jnp.float32),
        ],
    )(A, W)
    keep = keep.reshape(_K)

    kept_scores = jnp.where(keep > 0.0, top_scores, -1.0)
    final_scores, fidx = jax.lax.top_k(kept_scores, _POST)
    final_boxes = jnp.take(top_boxes, fidx, axis=0)
    final_scores = jnp.maximum(final_scores, 0.0)
    return jnp.concatenate([final_boxes, final_scores[:, None]], axis=-1)

# --- scband reference (transcript-rebuilt; emitter-appended) ---
"""Pipeline reference for scband-cascade-roiheads-23811298689436 (READ-ONLY COPY).

The authoritative reference and input builder live on the scoring server;
editing this copy changes nothing except your own understanding.
"""

import jax, jax.numpy as jnp
import numpy as np

N = 20000
PRE_NMS_TOPK = 4096
POST_NMS = 100
NMS_THRESH = 0.7
SCORE_THRESH = 0.05
IMG = 1024.0


def setup_inputs(seed: int = 0):
    key = jax.random.key(seed)
    k1, k2, k3 = jax.random.split(key, 3)
    xy = jax.random.uniform(k1, (N, 2)) * IMG
    wh = jax.random.uniform(k2, (N, 2)) * 256.0 + 4.0
    boxes = jnp.concatenate([xy, xy + wh], axis=-1).astype(jnp.float32)
    scores = jax.random.uniform(k3, (N,)).astype(jnp.float32)
    return {"boxes": boxes, "scores": scores}


def pairwise_iou(a, b):
    area_a = (a[:, 2] - a[:, 0]) * (a[:, 3] - a[:, 1])
    area_b = (b[:, 2] - b[:, 0]) * (b[:, 3] - b[:, 1])
    lt = jnp.maximum(a[:, None, :2], b[None, :, :2])
    rb = jnp.minimum(a[:, None, 2:], b[None, :, 2:])
    wh = jnp.maximum(rb - lt, 0.0)
    inter = wh[..., 0] * wh[..., 1]
    union = jnp.maximum(area_a[:, None] + area_b[None, :] - inter, 1e-8)
    return inter / union


def reference(boxes, scores):
    # Clip proposals to the image, threshold scores (score_threshold=0.05)
    boxes = jnp.clip(boxes, 0.0, IMG)
    scores = jnp.where(scores >= SCORE_THRESH, scores, 0.0)
    # Pre-NMS top-k selection by score
    top_scores, idx = jax.lax.top_k(scores, PRE_NMS_TOPK)
    top_boxes = jnp.take(boxes, idx, axis=0)
    # Pairwise IoU of score-sorted candidates
    iou = pairwise_iou(top_boxes, top_boxes)
    iou_s = jax.lax.stop_gradient(iou)
    valid = jax.lax.stop_gradient(top_scores) > 0.0
    K = PRE_NMS_TOPK
    order = jnp.arange(K)

    # Exact greedy NMS: box i is kept iff no higher-scored kept box overlaps > thresh
    def body(keep, i):
        sup = jnp.any(keep & (iou_s[:, i] > NMS_THRESH) & (order < i))
        keep = keep.at[i].set(valid[i] & (~sup))
        return keep, 0

    keep, _ = jax.lax.scan(body, jnp.zeros((K,), dtype=bool), jnp.arange(K))
    # Post-NMS: keep top `post_nms_num_detections` survivors
    kept_scores = jnp.where(keep, top_scores, -1.0)
    final_scores, fidx = jax.lax.top_k(kept_scores, POST_NMS)
    final_boxes = jnp.take(top_boxes, fidx, axis=0)
    final_scores = jnp.maximum(final_scores, 0.0)
    out = jnp.concatenate([final_boxes, final_scores[:, None]], axis=-1)
    return out

if __name__ == "__main__":
    import jax
    _d = setup_inputs()
    print(jax.jit(kernel)(*tuple(_d.values())))

</pallas_src>

<mosaic_0001>
module attributes {stable_mosaic.version = 14 : i64} {
  func.func @_nms_body(%arg0: memref<32x8x128xf32, #tpu.memory_space<vmem>>, %arg1: memref<8x4096xf32, #tpu.memory_space<vmem>>, %arg2: memref<32x1x128xf32, #tpu.memory_space<vmem>>, %arg3: memref<32x1x128xf32, #tpu.memory_space<vmem>>) attributes {dimension_semantics = [], scalar_prefetch = 0 : i64, scratch_operands = 1 : i64, tpu.core_type = #tpu.core_type<tc>} {
    %iota3A = tpu.iota {dimensions = array<i32: 0>} : vector<128x128xi32>
    %iota3A_0 = tpu.iota {dimensions = array<i32: 1>} : vector<128x128xi32>
    %eq3A = arith.cmpi eq, %iota3A, %iota3A_0 : vector<128x128xi32>
    %convert_element_type3A = arith.extui %eq3A : vector<128x128xi1> to vector<128x128xi32>
    %convert_element_type3A_1 = arith.sitofp %convert_element_type3A : vector<128x128xi32> to vector<128x128xf32>
    %broadcast_in_dim3A = arith.constant 0.000000e+00 : f32
    %broadcast_in_dim3A_2 = vector.broadcast %broadcast_in_dim3A : f32 to vector<32x1x128xf32>
    %swap3A = arith.constant 0 : index
    %swap3A_3 = arith.constant 0 : index
    %swap3A_4 = arith.constant 0 : index
    %swap3A_5 = vector.load %arg3[%swap3A, %swap3A_3, %swap3A_4] : memref<32x1x128xf32, #tpu.memory_space<vmem>>, vector<32x1x128xf32>
    tpu.vector_store %arg3[%swap3A, %swap3A_3, %swap3A_4], %broadcast_in_dim3A_2 {strides = array<i32>} : memref<32x1x128xf32, #tpu.memory_space<vmem>>, vector<32x1x128xf32>,
    %scan3A = arith.constant 0 : i32
    %scan3A_6 = arith.constant 32 : i32
    %scan3A_7 = arith.addi %scan3A, %scan3A_6 : i32
    %scan3A_8 = arith.constant 1 : i32
    scf.for %scan3A_10 = %scan3A to %scan3A_7 step %scan3A_8  : i32 {
      %get3A = arith.index_cast %scan3A_10 : i32 to index
      %get3A_11 = arith.constant 0 : index
      %get3A_12 = arith.constant 0 : index
      %get3A_13 = vector.load %arg0[%get3A, %get3A_11, %get3A_12] : memref<32x8x128xf32, #tpu.memory_space<vmem>>, vector<1x8x128xf32>
      %reshape3A = vector.shape_cast %get3A_13 : vector<1x8x128xf32> to vector<8x128xf32>
      %slice3A = vector.extract_strided_slice %reshape3A {offsets = [0, 0], sizes = [1, 128], strides = [1, 1]} : vector<8x128xf32> to vector<1x128xf32>
      %slice3A_14 = vector.extract_strided_slice %reshape3A {offsets = [1, 0], sizes = [1, 128], strides = [1, 1]} : vector<8x128xf32> to vector<1x128xf32>
      %slice3A_15 = vector.extract_strided_slice %reshape3A {offsets = [2, 0], sizes = [1, 128], strides = [1, 1]} : vector<8x128xf32> to vector<1x128xf32>
      %slice3A_16 = vector.extract_strided_slice %reshape3A {offsets = [3, 0], sizes = [1, 128], strides = [1, 1]} : vector<8x128xf32> to vector<1x128xf32>
      %slice3A_17 = vector.extract_strided_slice %reshape3A {offsets = [4, 0], sizes = [1, 128], strides = [1, 1]} : vector<8x128xf32> to vector<1x128xf32>
      %slice3A_18 = vector.extract_strided_slice %reshape3A {offsets = [5, 0], sizes = [1, 128], strides = [1, 1]} : vector<8x128xf32> to vector<1x128xf32>
      %mul3A = vector.broadcast %slice3A : vector<1x128xf32> to vector<128x128xf32>
      %mul3A_19 = arith.mulf %convert_element_type3A_1, %mul3A : vector<128x128xf32>
      %reduce_sum3A = arith.constant dense<0.000000e+00> : vector<128xf32>
      %reduce_sum3A_20 = vector.multi_reduction <add>, %mul3A_19, %reduce_sum3A [1] : vector<128x128xf32> to vector<128xf32>
      %broadcast_in_dim3A_21 = vector.shape_cast %reduce_sum3A_20 : vector<128xf32> to vector<128x1xf32>
      %mul3A_22 = vector.broadcast %slice3A_14 : vector<1x128xf32> to vector<128x128xf32>
      %mul3A_23 = arith.mulf %convert_element_type3A_1, %mul3A_22 : vector<128x128xf32>
      %reduce_sum3A_24 = arith.constant dense<0.000000e+00> : vector<128xf32>
      %reduce_sum3A_25 = vector.multi_reduction <add>, %mul3A_23, %reduce_sum3A_24 [1] : vector<128x128xf32> to vector<128xf32>
      %broadcast_in_dim3A_26 = vector.shape_cast %reduce_sum3A_25 : vector<128xf32> to vector<128x1xf32>
      %mul3A_27 = vector.broadcast %slice3A_15 : vector<1x128xf32> to vector<128x128xf32>
      %mul3A_28 = arith.mulf %convert_element_type3A_1, %mul3A_27 : vector<128x128xf32>
      %reduce_sum3A_29 = arith.constant dense<0.000000e+00> : vector<128xf32>
      %reduce_sum3A_30 = vector.multi_reduction <add>, %mul3A_28, %reduce_sum3A_29 [1] : vector<128x128xf32> to vector<128xf32>
      %broadcast_in_dim3A_31 = vector.shape_cast %reduce_sum3A_30 : vector<128xf32> to vector<128x1xf32>
      %mul3A_32 = vector.broadcast %slice3A_16 : vector<1x128xf32> to vector<128x128xf32>
      %mul3A_33 = arith.mulf %convert_element_type3A_1, %mul3A_32 : vector<128x128xf32>
      %reduce_sum3A_34 = arith.constant dense<0.000000e+00> : vector<128xf32>
      %reduce_sum3A_35 = vector.multi_reduction <add>, %mul3A_33, %reduce_sum3A_34 [1] : vector<128x128xf32> to vector<128xf32>
      %broadcast_in_dim3A_36 = vector.shape_cast %reduce_sum3A_35 : vector<128xf32> to vector<128x1xf32>
      %mul3A_37 = vector.broadcast %slice3A_18 : vector<1x128xf32> to vector<128x128xf32>
      %mul3A_38 = arith.mulf %convert_element_type3A_1, %mul3A_37 : vector<128x128xf32>
      %reduce_sum3A_39 = arith.constant dense<0.000000e+00> : vector<128xf32>
      %reduce_sum3A_40 = vector.multi_reduction <add>, %mul3A_38, %reduce_sum3A_39 [1] : vector<128x128xf32> to vector<128xf32>
      %broadcast_in_dim3A_41 = vector.shape_cast %reduce_sum3A_40 : vector<128xf32> to vector<128x1xf32>
      %min3A = vector.broadcast %broadcast_in_dim3A_31 : vector<128x1xf32> to vector<128x128xf32>
      %min3A_42 = vector.broadcast %slice3A_15 : vector<1x128xf32> to vector<128x128xf32>
      %min3A_43 = arith.minimumf %min3A, %min3A_42 : vector<128x128xf32>
      %max3A = vector.broadcast %broadcast_in_dim3A_21 : vector<128x1xf32> to vector<128x128xf32>
      %max3A_44 = vector.broadcast %slice3A : vector<1x128xf32> to vector<128x128xf32>
      %max3A_45 = arith.maximumf %max3A, %max3A_44 : vector<128x128xf32>
      %sub3A = arith.subf %min3A_43, %max3A_45 : vector<128x128xf32>
      %max3A_46 = arith.constant 0.000000e+00 : f32
      %max3A_47 = vector.broadcast %max3A_46 : f32 to vector<128x128xf32>
      %max3A_48 = arith.maximumf %sub3A, %max3A_47 : vector<128x128xf32>
      %min3A_49 = vector.broadcast %broadcast_in_dim3A_36 : vector<128x1xf32> to vector<128x128xf32>
      %min3A_50 = vector.broadcast %slice3A_16 : vector<1x128xf32> to vector<128x128xf32>
      %min3A_51 = arith.minimumf %min3A_49, %min3A_50 : vector<128x128xf32>
      %max3A_52 = vector.broadcast %broadcast_in_dim3A_26 : vector<128x1xf32> to vector<128x128xf32>
      %max3A_53 = vector.broadcast %slice3A_14 : vector<1x128xf32> to vector<128x128xf32>
      %max3A_54 = arith.maximumf %max3A_52, %max3A_53 : vector<128x128xf32>
      %sub3A_55 = arith.subf %min3A_51, %max3A_54 : vector<128x128xf32>
      %max3A_56 = arith.constant 0.000000e+00 : f32
      %max3A_57 = vector.broadcast %max3A_56 : f32 to vector<128x128xf32>
      %max3A_58 = arith.maximumf %sub3A_55, %max3A_57 : vector<128x128xf32>
      %mul3A_59 = arith.mulf %max3A_48, %max3A_58 : vector<128x128xf32>
      %add3A = vector.broadcast %broadcast_in_dim3A_41 : vector<128x1xf32> to vector<128x128xf32>
      %add3A_60 = vector.broadcast %slice3A_18 : vector<1x128xf32> to vector<128x128xf32>
      %add3A_61 = arith.addf %add3A, %add3A_60 : vector<128x128xf32>
      %sub3A_62 = arith.subf %add3A_61, %mul3A_59 : vector<128x128xf32>
      %max3A_63 = arith.constant 9.99999993E-9 : f32
      %max3A_64 = vector.broadcast %max3A_63 : f32 to vector<128x128xf32>
      %max3A_65 = arith.maximumf %sub3A_62, %max3A_64 : vector<128x128xf32>
      %mul3A_66 = arith.constant 0.699999988 : f32
      %mul3A_67 = vector.broadcast %mul3A_66 : f32 to vector<128x128xf32>
      %mul3A_68 = arith.mulf %mul3A_67, %max3A_65 : vector<128x128xf32>
      %gt3A = arith.cmpf ogt, %mul3A_59, %mul3A_68 : vector<128x128xf32>
      %lt3A = arith.cmpi slt, %iota3A_0, %iota3A : vector<128x128xi32>
      %and3A = arith.andi %gt3A, %lt3A : vector<128x128xi1>
      %convert_element_type3A_69 = arith.extui %and3A : vector<128x128xi1> to vector<128x128xi32>
      %convert_element_type3A_70 = arith.sitofp %convert_element_type3A_69 : vector<128x128xi32> to vector<128x128xf32>
      %get3A_71 = arith.index_cast %scan3A_10 : i32 to index
      %get3A_72 = arith.constant 0 : index
      %get3A_73 = arith.constant 0 : index
      %get3A_74 = vector.load %arg3[%get3A_71, %get3A_72, %get3A_73] : memref<32x1x128xf32, #tpu.memory_space<vmem>>, vector<1x1x128xf32>
      %reshape3A_75 = vector.shape_cast %get3A_74 : vector<1x1x128xf32> to vector<1x128xf32>
      %gt3A_76 = arith.constant 0.000000e+00 : f32
      %gt3A_77 = vector.broadcast %gt3A_76 : f32 to vector<1x128xf32>
      %gt3A_78 = arith.cmpf ogt, %reshape3A_75, %gt3A_77 : vector<1x128xf32>
      %jit3A = arith.constant 0.000000e+00 : f32
      %broadcast_in_dim3A_79 = vector.broadcast %jit3A : f32 to vector<1x128xf32>
      %select_n3A = arith.select %gt3A_78, %broadcast_in_dim3A_79, %slice3A_17 : vector<1x128xi1>, vector<1x128xf32>
      %mul3A_80 = vector.broadcast %select_n3A : vector<1x128xf32> to vector<128x128xf32>
      %mul3A_81 = arith.mulf %convert_element_type3A_1, %mul3A_80 : vector<128x128xf32>
      %reduce_sum3A_82 = arith.constant dense<0.000000e+00> : vector<128xf32>
      %reduce_sum3A_83 = vector.multi_reduction <add>, %mul3A_81, %reduce_sum3A_82 [1] : vector<128x128xf32> to vector<128xf32>
      %broadcast_in_dim3A_84 = vector.shape_cast %reduce_sum3A_83 : vector<128xf32> to vector<128x1xf32>
      %while3A = arith.constant 1.000000e+00 : f32
      %while3A_85:2 = scf.while (%while3A_115 = %broadcast_in_dim3A_84, %while3A_116 = %while3A) : (vector<128x1xf32>, f32) -> (vector<128x1xf32>, f32) {
        %gt3A_117 = arith.constant 0.000000e+00 : f32
        %gt3A_118 = arith.cmpf ogt, %while3A_116, %gt3A_117 : f32
        scf.condition(%gt3A_118) %while3A_115, %while3A_116 : vector<128x1xf32>, f32
      } do {
      ^bb0(%while3A_115: vector<128x1xf32>, %while3A_116: f32):
        %dot_general3A = arith.constant dense<0.000000e+00> : vector<128x1xf32>
        %dot_general3A_117 = tpu.matmul %convert_element_type3A_70, %while3A_115, %dot_general3A {dimension_numbers = #tpu.dot_dimension_numbers<[1], [0], [0], [1], [0, 0, 1, 1], [], []>, transpose_lhs_hint = false} : vector<128x128xf32>, vector<128x1xf32>, vector<128x1xf32> -> vector<128x1xf32>
        %gt3A_118 = arith.constant 0.000000e+00 : f32
        %gt3A_119 = vector.broadcast %gt3A_118 : f32 to vector<128x1xf32>
        %gt3A_120 = arith.cmpf ogt, %dot_general3A_117, %gt3A_119 : vector<128x1xf32>
        %jit3A_121 = arith.constant 0.000000e+00 : f32
        %broadcast_in_dim3A_122 = vector.broadcast %jit3A_121 : f32 to vector<128x1xf32>
        %select_n3A_123 = arith.select %gt3A_120, %broadcast_in_dim3A_122, %broadcast_in_dim3A_84 : vector<128x1xi1>, vector<128x1xf32>
        %sub3A_124 = arith.subf %select_n3A_123, %while3A_115 : vector<128x1xf32>
        %abs3A = math.absf %sub3A_124 : vector<128x1xf32>
        %reduce_max3A = vector.shape_cast %abs3A : vector<128x1xf32> to vector<1x128x1xf32>
        %reduce_max3A_125 = arith.constant dense<0xFF800000> : vector<1xf32>
        %reduce_max3A_126 = vector.multi_reduction <maximumf>, %reduce_max3A, %reduce_max3A_125 [1, 2] : vector<1x128x1xf32> to vector<1xf32>
        %reduce_max3A_127 = vector.shape_cast %reduce_max3A_126 : vector<1xf32> to vector<1x1x1xf32>
        %reduce_max3A_128 = vector.extract %reduce_max3A_127[0, 0, 0] : f32 from vector<1x1x1xf32>
        scf.yield %select_n3A_123, %reduce_max3A_128 : vector<128x1xf32>, f32
      }
      %mul3A_86 = vector.broadcast %while3A_85#0 : vector<128x1xf32> to vector<128x128xf32>
      %mul3A_87 = arith.mulf %convert_element_type3A_1, %mul3A_86 : vector<128x128xf32>
      %reduce_sum3A_88 = arith.constant dense<0.000000e+00> : vector<128xf32>
      %reduce_sum3A_89 = vector.multi_reduction <add>, %mul3A_87, %reduce_sum3A_88 [0] : vector<128x128xf32> to vector<128xf32>
      %broadcast_in_dim3A_90 = vector.shape_cast %reduce_sum3A_89 : vector<128xf32> to vector<1x128xf32>
      %broadcast_in_dim3A_91 = vector.shape_cast %broadcast_in_dim3A_90 : vector<1x128xf32> to vector<1x1x128xf32>
      %swap3A_92 = arith.index_cast %scan3A_10 : i32 to index
      %swap3A_93 = arith.constant 0 : index
      %swap3A_94 = arith.constant 0 : index
      %swap3A_95 = vector.load %arg2[%swap3A_92, %swap3A_93, %swap3A_94] : memref<32x1x128xf32, #tpu.memory_space<vmem>>, vector<1x1x128xf32>
      tpu.vector_store %arg2[%swap3A_92, %swap3A_93, %swap3A_94], %broadcast_in_dim3A_91 {strides = array<i32>} : memref<32x1x128xf32, #tpu.memory_space<vmem>>, vector<1x1x128xf32>,
      %lt3A_96 = arith.constant 7 : i32
      %lt3A_97 = arith.cmpi slt, %scan3A_10, %lt3A_96 : i32
      %convert_element_type3A_98 = arith.extui %lt3A_97 : i1 to i32
      %cond3A = arith.constant 0 : i32
      %cond3A_99 = arith.cmpi ne, %convert_element_type3A_98, %cond3A : i32
      scf.if %cond3A_99 {
        %get3A_115 = arith.constant 0 : index
        %get3A_116 = arith.constant 0 : index
        %get3A_117 = vector.load %arg1[%get3A_115, %get3A_116] : memref<8x4096xf32, #tpu.memory_space<vmem>>, vector<1x1024xf32>
        %get3A_118 = arith.constant 1 : index
        %get3A_119 = arith.constant 0 : index
        %get3A_120 = vector.load %arg1[%get3A_118, %get3A_119] : memref<8x4096xf32, #tpu.memory_space<vmem>>, vector<1x1024xf32>
        %get3A_121 = arith.constant 2 : index
        %get3A_122 = arith.constant 0 : index
        %get3A_123 = vector.load %arg1[%get3A_121, %get3A_122] : memref<8x4096xf32, #tpu.memory_space<vmem>>, vector<1x1024xf32>
        %get3A_124 = arith.constant 3 : index
        %get3A_125 = arith.constant 0 : index
        %get3A_126 = vector.load %arg1[%get3A_124, %get3A_125] : memref<8x4096xf32, #tpu.memory_space<vmem>>, vector<1x1024xf32>
        %get3A_127 = arith.constant 5 : index
        %get3A_128 = arith.constant 0 : index
        %get3A_129 = vector.load %arg1[%get3A_127, %get3A_128] : memref<8x4096xf32, #tpu.memory_space<vmem>>, vector<1x1024xf32>
        %min3A_130 = vector.broadcast %broadcast_in_dim3A_31 : vector<128x1xf32> to vector<128x1024xf32>
        %min3A_131 = vector.broadcast %get3A_123 : vector<1x1024xf32> to vector<128x1024xf32>
        %min3A_132 = arith.minimumf %min3A_130, %min3A_131 : vector<128x1024xf32>
        %max3A_133 = vector.broadcast %broadcast_in_dim3A_21 : vector<128x1xf32> to vector<128x1024xf32>
        %max3A_134 = vector.broadcast %get3A_117 : vector<1x1024xf32> to vector<128x1024xf32>
        %max3A_135 = arith.maximumf %max3A_133, %max3A_134 : vector<128x1024xf32>
        %sub3A_136 = arith.subf %min3A_132, %max3A_135 : vector<128x1024xf32>
        %max3A_137 = arith.constant 0.000000e+00 : f32
        %max3A_138 = vector.broadcast %max3A_137 : f32 to vector<128x1024xf32>
        %max3A_139 = arith.maximumf %sub3A_136, %max3A_138 : vector<128x1024xf32>
        %min3A_140 = vector.broadcast %broadcast_in_dim3A_36 : vector<128x1xf32> to vector<128x1024xf32>
        %min3A_141 = vector.broadcast %get3A_126 : vector<1x1024xf32> to vector<128x1024xf32>
        %min3A_142 = arith.minimumf %min3A_140, %min3A_141 : vector<128x1024xf32>
        %max3A_143 = vector.broadcast %broadcast_in_dim3A_26 : vector<128x1xf32> to vector<128x1024xf32>
        %max3A_144 = vector.broadcast %get3A_120 : vector<1x1024xf32> to vector<128x1024xf32>
        %max3A_145 = arith.maximumf %max3A_143, %max3A_144 : vector<128x1024xf32>
        %sub3A_146 = arith.subf %min3A_142, %max3A_145 : vector<128x1024xf32>
        %max3A_147 = arith.constant 0.000000e+00 : f32
        %max3A_148 = vector.broadcast %max3A_147 : f32 to vector<128x1024xf32>
        %max3A_149 = arith.maximumf %sub3A_146, %max3A_148 : vector<128x1024xf32>
        %mul3A_150 = arith.mulf %max3A_139, %max3A_149 : vector<128x1024xf32>
        %add3A_151 = vector.broadcast %broadcast_in_dim3A_41 : vector<128x1xf32> to vector<128x1024xf32>
        %add3A_152 = vector.broadcast %get3A_129 : vector<1x1024xf32> to vector<128x1024xf32>
        %add3A_153 = arith.addf %add3A_151, %add3A_152 : vector<128x1024xf32>
        %sub3A_154 = arith.subf %add3A_153, %mul3A_150 : vector<128x1024xf32>
        %max3A_155 = arith.constant 9.99999993E-9 : f32
        %max3A_156 = vector.broadcast %max3A_155 : f32 to vector<128x1024xf32>
        %max3A_157 = arith.maximumf %sub3A_154, %max3A_156 : vector<128x1024xf32>
        %mul3A_158 = arith.constant 0.699999988 : f32
        %mul3A_159 = vector.broadcast %mul3A_158 : f32 to vector<128x1024xf32>
        %mul3A_160 = arith.mulf %mul3A_159, %max3A_157 : vector<128x1024xf32>
        %gt3A_161 = arith.cmpf ogt, %mul3A_150, %mul3A_160 : vector<128x1024xf32>
        %convert_element_type3A_162 = arith.extui %gt3A_161 : vector<128x1024xi1> to vector<128x1024xi32>
        %convert_element_type3A_163 = arith.sitofp %convert_element_type3A_162 : vector<128x1024xi32> to vector<128x1024xf32>
        %mul3A_164 = vector.broadcast %while3A_85#0 : vector<128x1xf32> to vector<128x1024xf32>
        %mul3A_165 = arith.mulf %convert_element_type3A_163, %mul3A_164 : vector<128x1024xf32>
        %reduce_max3A = arith.constant dense<0xFF800000> : vector<1024xf32>
        %reduce_max3A_166 = vector.multi_reduction <maximumf>, %mul3A_165, %reduce_max3A [0] : vector<128x1024xf32> to vector<1024xf32>
        %broadcast_in_dim3A_167 = vector.shape_cast %reduce_max3A_166 : vector<1024xf32> to vector<1x1024xf32>
        %iota3A_168 = tpu.iota {dimensions = array<i32: 1>} : vector<1x1024xi32>
        %add3A_169 = arith.constant 0 : i32
        %add3A_170 = vector.broadcast %add3A_169 : i32 to vector<1x1024xi32>
        %add3A_171 = arith.addi %add3A_170, %iota3A_168 : vector<1x1024xi32>
        %add3A_172 = arith.constant 1 : i32
        %add3A_173 = arith.addi %scan3A_10, %add3A_172 : i32
        %mul3A_174 = arith.constant 128 : i32
        %mul3A_175 = arith.muli %add3A_173, %mul3A_174 : i32
        %ge3A = vector.broadcast %mul3A_175 : i32 to vector<1x1024xi32>
        %ge3A_176 = arith.cmpi sge, %add3A_171, %ge3A : vector<1x1024xi32>
        %jit3A_177 = arith.constant 0.000000e+00 : f32
        %broadcast_in_dim3A_178 = vector.broadcast %jit3A_177 : f32 to vector<1x1024xf32>
        %select_n3A_179 = arith.select %ge3A_176, %broadcast_in_dim3A_167, %broadcast_in_dim3A_178 : vector<1x1024xi1>, vector<1x1024xf32>
        %slice3A_180 = vector.extract_strided_slice %select_n3A_179 {offsets = [0, 0], sizes = [1, 128], strides = [1, 1]} : vector<1x1024xf32> to vector<1x128xf32>
        %broadcast_in_dim3A_181 = vector.shape_cast %slice3A_180 : vector<1x128xf32> to vector<1x1x128xf32>
        %get3A_182 = arith.constant 0 : index
        %get3A_183 = arith.constant 0 : index
        %get3A_184 = arith.constant 0 : index
        %get3A_185 = vector.load %arg3[%get3A_182, %get3A_183, %get3A_184] : memref<32x1x128xf32, #tpu.memory_space<vmem>>, vector<1x1x128xf32>
        %max3A_186 = arith.maximumf %get3A_185, %broadcast_in_dim3A_181 : vector<1x1x128xf32>
        %swap3A_187 = arith.constant 0 : index
        %swap3A_188 = arith.constant 0 : index
        %swap3A_189 = arith.constant 0 : index
        %swap3A_190 = vector.load %arg3[%swap3A_187, %swap3A_188, %swap3A_189] : memref<32x1x128xf32, #tpu.memory_space<vmem>>, vector<1x1x128xf32>
        tpu.vector_store %arg3[%swap3A_187, %swap3A_188, %swap3A_189], %max3A_186 {strides = array<i32>} : memref<32x1x128xf32, #tpu.memory_space<vmem>>, vector<1x1x128xf32>,
        %slice3A_191 = vector.extract_strided_slice %select_n3A_179 {offsets = [0, 128], sizes = [1, 128], strides = [1, 1]} : vector<1x1024xf32> to vector<1x128xf32>
        %broadcast_in_dim3A_192 = vector.shape_cast %slice3A_191 : vector<1x128xf32> to vector<1x1x128xf32>
        %get3A_193 = arith.constant 1 : index
        %get3A_194 = arith.constant 0 : index
        %get3A_195 = arith.constant 0 : index
        %get3A_196 = vector.load %arg3[%get3A_193, %get3A_194, %get3A_195] : memref<32x1x128xf32, #tpu.memory_space<vmem>>, vector<1x1x128xf32>
        %max3A_197 = arith.maximumf %get3A_196, %broadcast_in_dim3A_192 : vector<1x1x128xf32>
        %swap3A_198 = arith.constant 1 : index
        %swap3A_199 = arith.constant 0 : index
        %swap3A_200 = arith.constant 0 : index
        %swap3A_201 = vector.load %arg3[%swap3A_198, %swap3A_199, %swap3A_200] : memref<32x1x128xf32, #tpu.memory_space<vmem>>, vector<1x1x128xf32>
        tpu.vector_store %arg3[%swap3A_198, %swap3A_199, %swap3A_200], %max3A_197 {strides = array<i32>} : memref<32x1x128xf32, #tpu.memory_space<vmem>>, vector<1x1x128xf32>,
        %slice3A_202 = vector.extract_strided_slice %select_n3A_179 {offsets = [0, 256], sizes = [1, 128], strides = [1, 1]} : vector<1x1024xf32> to vector<1x128xf32>
        %broadcast_in_dim3A_203 = vector.shape_cast %slice3A_202 : vector<1x128xf32> to vector<1x1x128xf32>
        %get3A_204 = arith.constant 2 : index
        %get3A_205 = arith.constant 0 : index
        %get3A_206 = arith.constant 0 : index
        %get3A_207 = vector.load %arg3[%get3A_204, %get3A_205, %get3A_206] : memref<32x1x128xf32, #tpu.memory_space<vmem>>, vector<1x1x128xf32>
        %max3A_208 = arith.maximumf %get3A_207, %broadcast_in_dim3A_203 : vector<1x1x128xf32>
        %swap3A_209 = arith.constant 2 : index
        %swap3A_210 = arith.constant 0 : index
        %swap3A_211 = arith.constant 0 : index
        %swap3A_212 = vector.load %arg3[%swap3A_209, %swap3A_210, %swap3A_211] : memref<32x1x128xf32, #tpu.memory_space<vmem>>, vector<1x1x128xf32>
        tpu.vector_store %arg3[%swap3A_209, %swap3A_210, %swap3A_211], %max3A_208 {strides = array<i32>} : memref<32x1x128xf32, #tpu.memory_space<vmem>>, vector<1x1x128xf32>,
        %slice3A_213 = vector.extract_strided_slice %select_n3A_179 {offsets = [0, 384], sizes = [1, 128], strides = [1, 1]} : vector<1x1024xf32> to vector<1x128xf32>
        %broadcast_in_dim3A_214 = vector.shape_cast %slice3A_213 : vector<1x128xf32> to vector<1x1x128xf32>
        %get3A_215 = arith.constant 3 : index
        %get3A_216 = arith.constant 0 : index
        %get3A_217 = arith.constant 0 : index
        %get3A_218 = vector.load %arg3[%get3A_215, %get3A_216, %get3A_217] : memref<32x1x128xf32, #tpu.memory_space<vmem>>, vector<1x1x128xf32>
        %max3A_219 = arith.maximumf %get3A_218, %broadcast_in_dim3A_214 : vector<1x1x128xf32>
        %swap3A_220 = arith.constant 3 : index
        %swap3A_221 = arith.constant 0 : index
        %swap3A_222 = arith.constant 0 : index
        %swap3A_223 = vector.load %arg3[%swap3A_220, %swap3A_221, %swap3A_222] : memref<32x1x128xf32, #tpu.memory_space<vmem>>, vector<1x1x128xf32>
        tpu.vector_store %arg3[%swap3A_220, %swap3A_221, %swap3A_222], %max3A_219 {strides = array<i32>} : memref<32x1x128xf32, #tpu.memory_space<vmem>>, vector<1x1x128xf32>,
        %slice3A_224 = vector.extract_strided_slice %select_n3A_179 {offsets = [0, 512], sizes = [1, 128], strides = [1, 1]} : vector<1x1024xf32> to vector<1x128xf32>
        %broadcast_in_dim3A_225 = vector.shape_cast %slice3A_224 : vector<1x128xf32> to vector<1x1x128xf32>
        %get3A_226 = arith.constant 4 : index
        %get3A_227 = arith.constant 0 : index
        %get3A_228 = arith.constant 0 : index
        %get3A_229 = vector.load %arg3[%get3A_226, %get3A_227, %get3A_228] : memref<32x1x128xf32, #tpu.memory_space<vmem>>, vector<1x1x128xf32>
        %max3A_230 = arith.maximumf %get3A_229, %broadcast_in_dim3A_225 : vector<1x1x128xf32>
        %swap3A_231 = arith.constant 4 : index
        %swap3A_232 = arith.constant 0 : index
        %swap3A_233 = arith.constant 0 : index
        %swap3A_234 = vector.load %arg3[%swap3A_231, %swap3A_232, %swap3A_233] : memref<32x1x128xf32, #tpu.memory_space<vmem>>, vector<1x1x128xf32>
        tpu.vector_store %arg3[%swap3A_231, %swap3A_232, %swap3A_233], %max3A_230 {strides = array<i32>} : memref<32x1x128xf32, #tpu.memory_space<vmem>>, vector<1x1x128xf32>,
        %slice3A_235 = vector.extract_strided_slice %select_n3A_179 {offsets = [0, 640], sizes = [1, 128], strides = [1, 1]} : vector<1x1024xf32> to vector<1x128xf32>
        %broadcast_in_dim3A_236 = vector.shape_cast %slice3A_235 : vector<1x128xf32> to vector<1x1x128xf32>
        %get3A_237 = arith.constant 5 : index
        %get3A_238 = arith.constant 0 : index
        %get3A_239 = arith.constant 0 : index
        %get3A_240 = vector.load %arg3[%get3A_237, %get3A_238, %get3A_239] : memref<32x1x128xf32, #tpu.memory_space<vmem>>, vector<1x1x128xf32>
        %max3A_241 = arith.maximumf %get3A_240, %broadcast_in_dim3A_236 : vector<1x1x128xf32>
        %swap3A_242 = arith.constant 5 : index
        %swap3A_243 = arith.constant 0 : index
        %swap3A_244 = arith.constant 0 : index
        %swap3A_245 = vector.load %arg3[%swap3A_242, %swap3A_243, %swap3A_244] : memref<32x1x128xf32, #tpu.memory_space<vmem>>, vector<1x1x128xf32>
        tpu.vector_store %arg3[%swap3A_242, %swap3A_243, %swap3A_244], %max3A_241 {strides = array<i32>} : memref<32x1x128xf32, #tpu.memory_space<vmem>>, vector<1x1x128xf32>,
        %slice3A_246 = vector.extract_strided_slice %select_n3A_179 {offsets = [0, 768], sizes = [1, 128], strides = [1, 1]} : vector<1x1024xf32> to vector<1x128xf32>
        %broadcast_in_dim3A_247 = vector.shape_cast %slice3A_246 : vector<1x128xf32> to vector<1x1x128xf32>
        %get3A_248 = arith.constant 6 : index
        %get3A_249 = arith.constant 0 : index
        %get3A_250 = arith.constant 0 : index
        %get3A_251 = vector.load %arg3[%get3A_248, %get3A_249, %get3A_250] : memref<32x1x128xf32, #tpu.memory_space<vmem>>, vector<1x1x128xf32>
        %max3A_252 = arith.maximumf %get3A_251, %broadcast_in_dim3A_247 : vector<1x1x128xf32>
        %swap3A_253 = arith.constant 6 : index
        %swap3A_254 = arith.constant 0 : index
        %swap3A_255 = arith.constant 0 : index
        %swap3A_256 = vector.load %arg3[%swap3A_253, %swap3A_254, %swap3A_255] : memref<32x1x128xf32, #tpu.memory_space<vmem>>, vector<1x1x128xf32>
        tpu.vector_store %arg3[%swap3A_253, %swap3A_254, %swap3A_255], %max3A_252 {strides = array<i32>} : memref<32x1x128xf32, #tpu.memory_space<vmem>>, vector<1x1x128xf32>,
        %slice3A_257 = vector.extract_strided_slice %select_n3A_179 {offsets = [0, 896], sizes = [1, 128], strides = [1, 1]} : vector<1x1024xf32> to vector<1x128xf32>
        %broadcast_in_dim3A_258 = vector.shape_cast %slice3A_257 : vector<1x128xf32> to vector<1x1x128xf32>
        %get3A_259 = arith.constant 7 : index
        %get3A_260 = arith.constant 0 : index
        %get3A_261 = arith.constant 0 : index
        %get3A_262 = vector.load %arg3[%get3A_259, %get3A_260, %get3A_261] : memref<32x1x128xf32, #tpu.memory_space<vmem>>, vector<1x1x128xf32>
        %max3A_263 = arith.maximumf %get3A_262, %broadcast_in_dim3A_258 : vector<1x1x128xf32>
        %swap3A_264 = arith.constant 7 : index
        %swap3A_265 = arith.constant 0 : index
        %swap3A_266 = arith.constant 0 : index
        %swap3A_267 = vector.load %arg3[%swap3A_264, %swap3A_265, %swap3A_266] : memref<32x1x128xf32, #tpu.memory_space<vmem>>, vector<1x1x128xf32>
        tpu.vector_store %arg3[%swap3A_264, %swap3A_265, %swap3A_266], %max3A_263 {strides = array<i32>} : memref<32x1x128xf32, #tpu.memory_space<vmem>>, vector<1x1x128xf32>,
      } else {
      }
      %lt3A_100 = arith.constant 15 : i32
      %lt3A_101 = arith.cmpi slt, %scan3A_10, %lt3A_100 : i32
      %convert_element_type3A_102 = arith.extui %lt3A_101 : i1 to i32
      %cond3A_103 = arith.constant 0 : i32
      %cond3A_104 = arith.cmpi ne, %convert_element_type3A_102, %cond3A_103 : i32
      scf.if %cond3A_104 {
        %get3A_115 = arith.constant 0 : index
        %get3A_116 = arith.constant 1024 : index
        %get3A_117 = vector.load %arg1[%get3A_115, %get3A_116] : memref<8x4096xf32, #tpu.memory_space<vmem>>, vector<1x1024xf32>
        %get3A_118 = arith.constant 1 : index
        %get3A_119 = arith.constant 1024 : index
        %get3A_120 = vector.load %arg1[%get3A_118, %get3A_119] : memref<8x4096xf32, #tpu.memory_space<vmem>>, vector<1x1024xf32>
        %get3A_121 = arith.constant 2 : index
        %get3A_122 = arith.constant 1024 : index
        %get3A_123 = vector.load %arg1[%get3A_121, %get3A_122] : memref<8x4096xf32, #tpu.memory_space<vmem>>, vector<1x1024xf32>
        %get3A_124 = arith.constant 3 : index
        %get3A_125 = arith.constant 1024 : index
        %get3A_126 = vector.load %arg1[%get3A_124, %get3A_125] : memref<8x4096xf32, #tpu.memory_space<vmem>>, vector<1x1024xf32>
        %get3A_127 = arith.constant 5 : index
        %get3A_128 = arith.constant 1024 : index
        %get3A_129 = vector.load %arg1[%get3A_127, %get3A_128] : memref<8x4096xf32, #tpu.memory_space<vmem>>, vector<1x1024xf32>
        %min3A_130 = vector.broadcast %broadcast_in_dim3A_31 : vector<128x1xf32> to vector<128x1024xf32>
        %min3A_131 = vector.broadcast %get3A_123 : vector<1x1024xf32> to vector<128x1024xf32>
        %min3A_132 = arith.minimumf %min3A_130, %min3A_131 : vector<128x1024xf32>
        %max3A_133 = vector.broadcast %broadcast_in_dim3A_21 : vector<128x1xf32> to vector<128x1024xf32>
        %max3A_134 = vector.broadcast %get3A_117 : vector<1x1024xf32> to vector<128x1024xf32>
        %max3A_135 = arith.maximumf %max3A_133, %max3A_134 : vector<128x1024xf32>
        %sub3A_136 = arith.subf %min3A_132, %max3A_135 : vector<128x1024xf32>
        %max3A_137 = arith.constant 0.000000e+00 : f32
        %max3A_138 = vector.broadcast %max3A_137 : f32 to vector<128x1024xf32>
        %max3A_139 = arith.maximumf %sub3A_136, %max3A_138 : vector<128x1024xf32>
        %min3A_140 = vector.broadcast %broadcast_in_dim3A_36 : vector<128x1xf32> to vector<128x1024xf32>
        %min3A_141 = vector.broadcast %get3A_126 : vector<1x1024xf32> to vector<128x1024xf32>
        %min3A_142 = arith.minimumf %min3A_140, %min3A_141 : vector<128x1024xf32>
        %max3A_143 = vector.broadcast %broadcast_in_dim3A_26 : vector<128x1xf32> to vector<128x1024xf32>
        %max3A_144 = vector.broadcast %get3A_120 : vector<1x1024xf32> to vector<128x1024xf32>
        %max3A_145 = arith.maximumf %max3A_143, %max3A_144 : vector<128x1024xf32>
        %sub3A_146 = arith.subf %min3A_142, %max3A_145 : vector<128x1024xf32>
        %max3A_147 = arith.constant 0.000000e+00 : f32
        %max3A_148 = vector.broadcast %max3A_147 : f32 to vector<128x1024xf32>
        %max3A_149 = arith.maximumf %sub3A_146, %max3A_148 : vector<128x1024xf32>
        %mul3A_150 = arith.mulf %max3A_139, %max3A_149 : vector<128x1024xf32>
        %add3A_151 = vector.broadcast %broadcast_in_dim3A_41 : vector<128x1xf32> to vector<128x1024xf32>
        %add3A_152 = vector.broadcast %get3A_129 : vector<1x1024xf32> to vector<128x1024xf32>
        %add3A_153 = arith.addf %add3A_151, %add3A_152 : vector<128x1024xf32>
        %sub3A_154 = arith.subf %add3A_153, %mul3A_150 : vector<128x1024xf32>
        %max3A_155 = arith.constant 9.99999993E-9 : f32
        %max3A_156 = vector.broadcast %max3A_155 : f32 to vector<128x1024xf32>
        %max3A_157 = arith.maximumf %sub3A_154, %max3A_156 : vector<128x1024xf32>
        %mul3A_158 = arith.constant 0.699999988 : f32
        %mul3A_159 = vector.broadcast %mul3A_158 : f32 to vector<128x1024xf32>
        %mul3A_160 = arith.mulf %mul3A_159, %max3A_157 : vector<128x1024xf32>
        %gt3A_161 = arith.cmpf ogt, %mul3A_150, %mul3A_160 : vector<128x1024xf32>
        %convert_element_type3A_162 = arith.extui %gt3A_161 : vector<128x1024xi1> to vector<128x1024xi32>
        %convert_element_type3A_163 = arith.sitofp %convert_element_type3A_162 : vector<128x1024xi32> to vector<128x1024xf32>
        %mul3A_164 = vector.broadcast %while3A_85#0 : vector<128x1xf32> to vector<128x1024xf32>
        %mul3A_165 = arith.mulf %convert_element_type3A_163, %mul3A_164 : vector<128x1024xf32>
        %reduce_max3A = arith.constant dense<0xFF800000> : vector<1024xf32>
        %reduce_max3A_166 = vector.multi_reduction <maximumf>, %mul3A_165, %reduce_max3A [0] : vector<128x1024xf32> to vector<1024xf32>
        %broadcast_in_dim3A_167 = vector.shape_cast %reduce_max3A_166 : vector<1024xf32> to vector<1x1024xf32>
        %iota3A_168 = tpu.iota {dimensions = array<i32: 1>} : vector<1x1024xi32>
        %add3A_169 = arith.constant 1024 : i32
        %add3A_170 = vector.broadcast %add3A_169 : i32 to vector<1x1024xi32>
        %add3A_171 = arith.addi %add3A_170, %iota3A_168 : vector<1x1024xi32>
        %add3A_172 = arith.constant 1 : i32
        %add3A_173 = arith.addi %scan3A_10, %add3A_172 : i32
        %mul3A_174 = arith.constant 128 : i32
        %mul3A_175 = arith.muli %add3A_173, %mul3A_174 : i32
        %ge3A = vector.broadcast %mul3A_175 : i32 to vector<1x1024xi32>
        %ge3A_176 = arith.cmpi sge, %add3A_171, %ge3A : vector<1x1024xi32>
        %jit3A_177 = arith.constant 0.000000e+00 : f32
        %broadcast_in_dim3A_178 = vector.broadcast %jit3A_177 : f32 to vector<1x1024xf32>
        %select_n3A_179 = arith.select %ge3A_176, %broadcast_in_dim3A_167, %broadcast_in_dim3A_178 : vector<1x1024xi1>, vector<1x1024xf32>
        %slice3A_180 = vector.extract_strided_slice %select_n3A_179 {offsets = [0, 0], sizes = [1, 128], strides = [1, 1]} : vector<1x1024xf32> to vector<1x128xf32>
        %broadcast_in_dim3A_181 = vector.shape_cast %slice3A_180 : vector<1x128xf32> to vector<1x1x128xf32>
        %get3A_182 = arith.constant 8 : index
        %get3A_183 = arith.constant 0 : index
        %get3A_184 = arith.constant 0 : index
        %get3A_185 = vector.load %arg3[%get3A_182, %get3A_183, %get3A_184] : memref<32x1x128xf32, #tpu.memory_space<vmem>>, vector<1x1x128xf32>
        %max3A_186 = arith.maximumf %get3A_185, %broadcast_in_dim3A_181 : vector<1x1x128xf32>
        %swap3A_187 = arith.constant 8 : index
        %swap3A_188 = arith.constant 0 : index
        %swap3A_189 = arith.constant 0 : index
        %swap3A_190 = vector.load %arg3[%swap3A_187, %swap3A_188, %swap3A_189] : memref<32x1x128xf32, #tpu.memory_space<vmem>>, vector<1x1x128xf32>
        tpu.vector_store %arg3[%swap3A_187, %swap3A_188, %swap3A_189], %max3A_186 {strides = array<i32>} : memref<32x1x128xf32, #tpu.memory_space<vmem>>, vector<1x1x128xf32>,
        %slice3A_191 = vector.extract_strided_slice %select_n3A_179 {offsets = [0, 128], sizes = [1, 128], strides = [1, 1]} : vector<1x1024xf32> to vector<1x128xf32>
        %broadcast_in_dim3A_192 = vector.shape_cast %slice3A_191 : vector<1x128xf32> to vector<1x1x128xf32>
        %get3A_193 = arith.constant 9 : index
        %get3A_194 = arith.constant 0 : index
        %get3A_195 = arith.constant 0 : index
        %get3A_196 = vector.load %arg3[%get3A_193, %get3A_194, %get3A_195] : memref<32x1x128xf32, #tpu.memory_space<vmem>>, vector<1x1x128xf32>
        %max3A_197 = arith.maximumf %get3A_196, %broadcast_in_dim3A_192 : vector<1x1x128xf32>
        %swap3A_198 = arith.constant 9 : index
        %swap3A_199 = arith.constant 0 : index
        %swap3A_200 = arith.constant 0 : index
        %swap3A_201 = vector.load %arg3[%swap3A_198, %swap3A_199, %swap3A_200] : memref<32x1x128xf32, #tpu.memory_space<vmem>>, vector<1x1x128xf32>
        tpu.vector_store %arg3[%swap3A_198, %swap3A_199, %swap3A_200], %max3A_197 {strides = array<i32>} : memref<32x1x128xf32, #tpu.memory_space<vmem>>, vector<1x1x128xf32>,
        %slice3A_202 = vector.extract_strided_slice %select_n3A_179 {offsets = [0, 256], sizes = [1, 128], strides = [1, 1]} : vector<1x1024xf32> to vector<1x128xf32>
        %broadcast_in_dim3A_203 = vector.shape_cast %slice3A_202 : vector<1x128xf32> to vector<1x1x128xf32>
        %get3A_204 = arith.constant 10 : index
        %get3A_205 = arith.constant 0 : index
        %get3A_206 = arith.constant 0 : index
        %get3A_207 = vector.load %arg3[%get3A_204, %get3A_205, %get3A_206] : memref<32x1x128xf32, #tpu.memory_space<vmem>>, vector<1x1x128xf32>
        %max3A_208 = arith.maximumf %get3A_207, %broadcast_in_dim3A_203 : vector<1x1x128xf32>
        %swap3A_209 = arith.constant 10 : index
        %swap3A_210 = arith.constant 0 : index
        %swap3A_211 = arith.constant 0 : index
        %swap3A_212 = vector.load %arg3[%swap3A_209, %swap3A_210, %swap3A_211] : memref<32x1x128xf32, #tpu.memory_space<vmem>>, vector<1x1x128xf32>
        tpu.vector_store %arg3[%swap3A_209, %swap3A_210, %swap3A_211], %max3A_208 {strides = array<i32>} : memref<32x1x128xf32, #tpu.memory_space<vmem>>, vector<1x1x128xf32>,
        %slice3A_213 = vector.extract_strided_slice %select_n3A_179 {offsets = [0, 384], sizes = [1, 128], strides = [1, 1]} : vector<1x1024xf32> to vector<1x128xf32>
        %broadcast_in_dim3A_214 = vector.shape_cast %slice3A_213 : vector<1x128xf32> to vector<1x1x128xf32>
        %get3A_215 = arith.constant 11 : index
        %get3A_216 = arith.constant 0 : index
        %get3A_217 = arith.constant 0 : index
        %get3A_218 = vector.load %arg3[%get3A_215, %get3A_216, %get3A_217] : memref<32x1x128xf32, #tpu.memory_space<vmem>>, vector<1x1x128xf32>
        %max3A_219 = arith.maximumf %get3A_218, %broadcast_in_dim3A_214 : vector<1x1x128xf32>
        %swap3A_220 = arith.constant 11 : index
        %swap3A_221 = arith.constant 0 : index
        %swap3A_222 = arith.constant 0 : index
        %swap3A_223 = vector.load %arg3[%swap3A_220, %swap3A_221, %swap3A_222] : memref<32x1x128xf32, #tpu.memory_space<vmem>>, vector<1x1x128xf32>
        tpu.vector_store %arg3[%swap3A_220, %swap3A_221, %swap3A_222], %max3A_219 {strides = array<i32>} : memref<32x1x128xf32, #tpu.memory_space<vmem>>, vector<1x1x128xf32>,
        %slice3A_224 = vector.extract_strided_slice %select_n3A_179 {offsets = [0, 512], sizes = [1, 128], strides = [1, 1]} : vector<1x1024xf32> to vector<1x128xf32>
        %broadcast_in_dim3A_225 = vector.shape_cast %slice3A_224 : vector<1x128xf32> to vector<1x1x128xf32>
        %get3A_226 = arith.constant 12 : index
        %get3A_227 = arith.constant 0 : index
        %get3A_228 = arith.constant 0 : index
        %get3A_229 = vector.load %arg3[%get3A_226, %get3A_227, %get3A_228] : memref<32x1x128xf32, #tpu.memory_space<vmem>>, vector<1x1x128xf32>
        %max3A_230 = arith.maximumf %get3A_229, %broadcast_in_dim3A_225 : vector<1x1x128xf32>
        %swap3A_231 = arith.constant 12 : index
        %swap3A_232 = arith.constant 0 : index
        %swap3A_233 = arith.constant 0 : index
        %swap3A_234 = vector.load %arg3[%swap3A_231, %swap3A_232, %swap3A_233] : memref<32x1x128xf32, #tpu.memory_space<vmem>>, vector<1x1x128xf32>
        tpu.vector_store %arg3[%swap3A_231, %swap3A_232, %swap3A_233], %max3A_230 {strides = array<i32>} : memref<32x1x128xf32, #tpu.memory_space<vmem>>, vector<1x1x128xf32>,
        %slice3A_235 = vector.extract_strided_slice %select_n3A_179 {offsets = [0, 640], sizes = [1, 128], strides = [1, 1]} : vector<1x1024xf32> to vector<1x128xf32>
        %broadcast_in_dim3A_236 = vector.shape_cast %slice3A_235 : vector<1x128xf32> to vector<1x1x128xf32>
        %get3A_237 = arith.constant 13 : index
        %get3A_238 = arith.constant 0 : index
        %get3A_239 = arith.constant 0 : index
        %get3A_240 = vector.load %arg3[%get3A_237, %get3A_238, %get3A_239] : memref<32x1x128xf32, #tpu.memory_space<vmem>>, vector<1x1x128xf32>
        %max3A_241 = arith.maximumf %get3A_240, %broadcast_in_dim3A_236 : vector<1x1x128xf32>
        %swap3A_242 = arith.constant 13 : index
        %swap3A_243 = arith.constant 0 : index
        %swap3A_244 = arith.constant 0 : index
        %swap3A_245 = vector.load %arg3[%swap3A_242, %swap3A_243, %swap3A_244] : memref<32x1x128xf32, #tpu.memory_space<vmem>>, vector<1x1x128xf32>
        tpu.vector_store %arg3[%swap3A_242, %swap3A_243, %swap3A_244], %max3A_241 {strides = array<i32>} : memref<32x1x128xf32, #tpu.memory_space<vmem>>, vector<1x1x128xf32>,
        %slice3A_246 = vector.extract_strided_slice %select_n3A_179 {offsets = [0, 768], sizes = [1, 128], strides = [1, 1]} : vector<1x1024xf32> to vector<1x128xf32>
        %broadcast_in_dim3A_247 = vector.shape_cast %slice3A_246 : vector<1x128xf32> to vector<1x1x128xf32>
        %get3A_248 = arith.constant 14 : index
        %get3A_249 = arith.constant 0 : index
        %get3A_250 = arith.constant 0 : index
        %get3A_251 = vector.load %arg3[%get3A_248, %get3A_249, %get3A_250] : memref<32x1x128xf32, #tpu.memory_space<vmem>>, vector<1x1x128xf32>
        %max3A_252 = arith.maximumf %get3A_251, %broadcast_in_dim3A_247 : vector<1x1x128xf32>
        %swap3A_253 = arith.constant 14 : index
        %swap3A_254 = arith.constant 0 : index
        %swap3A_255 = arith.constant 0 : index
        %swap3A_256 = vector.load %arg3[%swap3A_253, %swap3A_254, %swap3A_255] : memref<32x1x128xf32, #tpu.memory_space<vmem>>, vector<1x1x128xf32>
        tpu.vector_store %arg3[%swap3A_253, %swap3A_254, %swap3A_255], %max3A_252 {strides = array<i32>} : memref<32x1x128xf32, #tpu.memory_space<vmem>>, vector<1x1x128xf32>,
        %slice3A_257 = vector.extract_strided_slice %select_n3A_179 {offsets = [0, 896], sizes = [1, 128], strides = [1, 1]} : vector<1x1024xf32> to vector<1x128xf32>
        %broadcast_in_dim3A_258 = vector.shape_cast %slice3A_257 : vector<1x128xf32> to vector<1x1x128xf32>
        %get3A_259 = arith.constant 15 : index
        %get3A_260 = arith.constant 0 : index
        %get3A_261 = arith.constant 0 : index
        %get3A_262 = vector.load %arg3[%get3A_259, %get3A_260, %get3A_261] : memref<32x1x128xf32, #tpu.memory_space<vmem>>, vector<1x1x128xf32>
        %max3A_263 = arith.maximumf %get3A_262, %broadcast_in_dim3A_258 : vector<1x1x128xf32>
        %swap3A_264 = arith.constant 15 : index
        %swap3A_265 = arith.constant 0 : index
        %swap3A_266 = arith.constant 0 : index
        %swap3A_267 = vector.load %arg3[%swap3A_264, %swap3A_265, %swap3A_266] : memref<32x1x128xf32, #tpu.memory_space<vmem>>, vector<1x1x128xf32>
        tpu.vector_store %arg3[%swap3A_264, %swap3A_265, %swap3A_266], %max3A_263 {strides = array<i32>} : memref<32x1x128xf32, #tpu.memory_space<vmem>>, vector<1x1x128xf32>,
      } else {
      }
      %lt3A_105 = arith.constant 23 : i32
      %lt3A_106 = arith.cmpi slt, %scan3A_10, %lt3A_105 : i32
      %convert_element_type3A_107 = arith.extui %lt3A_106 : i1 to i32
      %cond3A_108 = arith.constant 0 : i32
      %cond3A_109 = arith.cmpi ne, %convert_element_type3A_107, %cond3A_108 : i32
      scf.if %cond3A_109 {
        %get3A_115 = arith.constant 0 : index
        %get3A_116 = arith.constant 2048 : index
        %get3A_117 = vector.load %arg1[%get3A_115, %get3A_116] : memref<8x4096xf32, #tpu.memory_space<vmem>>, vector<1x1024xf32>
        %get3A_118 = arith.constant 1 : index
        %get3A_119 = arith.constant 2048 : index
        %get3A_120 = vector.load %arg1[%get3A_118, %get3A_119] : memref<8x4096xf32, #tpu.memory_space<vmem>>, vector<1x1024xf32>
        %get3A_121 = arith.constant 2 : index
        %get3A_122 = arith.constant 2048 : index
        %get3A_123 = vector.load %arg1[%get3A_121, %get3A_122] : memref<8x4096xf32, #tpu.memory_space<vmem>>, vector<1x1024xf32>
        %get3A_124 = arith.constant 3 : index
        %get3A_125 = arith.constant 2048 : index
        %get3A_126 = vector.load %arg1[%get3A_124, %get3A_125] : memref<8x4096xf32, #tpu.memory_space<vmem>>, vector<1x1024xf32>
        %get3A_127 = arith.constant 5 : index
        %get3A_128 = arith.constant 2048 : index
        %get3A_129 = vector.load %arg1[%get3A_127, %get3A_128] : memref<8x4096xf32, #tpu.memory_space<vmem>>, vector<1x1024xf32>
        %min3A_130 = vector.broadcast %broadcast_in_dim3A_31 : vector<128x1xf32> to vector<128x1024xf32>
        %min3A_131 = vector.broadcast %get3A_123 : vector<1x1024xf32> to vector<128x1024xf32>
        %min3A_132 = arith.minimumf %min3A_130, %min3A_131 : vector<128x1024xf32>
        %max3A_133 = vector.broadcast %broadcast_in_dim3A_21 : vector<128x1xf32> to vector<128x1024xf32>
        %max3A_134 = vector.broadcast %get3A_117 : vector<1x1024xf32> to vector<128x1024xf32>
        %max3A_135 = arith.maximumf %max3A_133, %max3A_134 : vector<128x1024xf32>
        %sub3A_136 = arith.subf %min3A_132, %max3A_135 : vector<128x1024xf32>
        %max3A_137 = arith.constant 0.000000e+00 : f32
        %max3A_138 = vector.broadcast %max3A_137 : f32 to vector<128x1024xf32>
        %max3A_139 = arith.maximumf %sub3A_136, %max3A_138 : vector<128x1024xf32>
        %min3A_140 = vector.broadcast %broadcast_in_dim3A_36 : vector<128x1xf32> to vector<128x1024xf32>
        %min3A_141 = vector.broadcast %get3A_126 : vector<1x1024xf32> to vector<128x1024xf32>
        %min3A_142 = arith.minimumf %min3A_140, %min3A_141 : vector<128x1024xf32>
        %max3A_143 = vector.broadcast %broadcast_in_dim3A_26 : vector<128x1xf32> to vector<128x1024xf32>
        %max3A_144 = vector.broadcast %get3A_120 : vector<1x1024xf32> to vector<128x1024xf32>
        %max3A_145 = arith.maximumf %max3A_143, %max3A_144 : vector<128x1024xf32>
        %sub3A_146 = arith.subf %min3A_142, %max3A_145 : vector<128x1024xf32>
        %max3A_147 = arith.constant 0.000000e+00 : f32
        %max3A_148 = vector.broadcast %max3A_147 : f32 to vector<128x1024xf32>
        %max3A_149 = arith.maximumf %sub3A_146, %max3A_148 : vector<128x1024xf32>
        %mul3A_150 = arith.mulf %max3A_139, %max3A_149 : vector<128x1024xf32>
        %add3A_151 = vector.broadcast %broadcast_in_dim3A_41 : vector<128x1xf32> to vector<128x1024xf32>
        %add3A_152 = vector.broadcast %get3A_129 : vector<1x1024xf32> to vector<128x1024xf32>
        %add3A_153 = arith.addf %add3A_151, %add3A_152 : vector<128x1024xf32>
        %sub3A_154 = arith.subf %add3A_153, %mul3A_150 : vector<128x1024xf32>
        %max3A_155 = arith.constant 9.99999993E-9 : f32
        %max3A_156 = vector.broadcast %max3A_155 : f32 to vector<128x1024xf32>
        %max3A_157 = arith.maximumf %sub3A_154, %max3A_156 : vector<128x1024xf32>
        %mul3A_158 = arith.constant 0.699999988 : f32
        %mul3A_159 = vector.broadcast %mul3A_158 : f32 to vector<128x1024xf32>
        %mul3A_160 = arith.mulf %mul3A_159, %max3A_157 : vector<128x1024xf32>
        %gt3A_161 = arith.cmpf ogt, %mul3A_150, %mul3A_160 : vector<128x1024xf32>
        %convert_element_type3A_162 = arith.extui %gt3A_161 : vector<128x1024xi1> to vector<128x1024xi32>
        %convert_element_type3A_163 = arith.sitofp %convert_element_type3A_162 : vector<128x1024xi32> to vector<128x1024xf32>
        %mul3A_164 = vector.broadcast %while3A_85#0 : vector<128x1xf32> to vector<128x1024xf32>
        %mul3A_165 = arith.mulf %convert_element_type3A_163, %mul3A_164 : vector<128x1024xf32>
        %reduce_max3A = arith.constant dense<0xFF800000> : vector<1024xf32>
        %reduce_max3A_166 = vector.multi_reduction <maximumf>, %mul3A_165, %reduce_max3A [0] : vector<128x1024xf32> to vector<1024xf32>
        %broadcast_in_dim3A_167 = vector.shape_cast %reduce_max3A_166 : vector<1024xf32> to vector<1x1024xf32>
        %iota3A_168 = tpu.iota {dimensions = array<i32: 1>} : vector<1x1024xi32>
        %add3A_169 = arith.constant 2048 : i32
        %add3A_170 = vector.broadcast %add3A_169 : i32 to vector<1x1024xi32>
        %add3A_171 = arith.addi %add3A_170, %iota3A_168 : vector<1x1024xi32>
        %add3A_172 = arith.constant 1 : i32
        %add3A_173 = arith.addi %scan3A_10, %add3A_172 : i32
        %mul3A_174 = arith.constant 128 : i32
        %mul3A_175 = arith.muli %add3A_173, %mul3A_174 : i32
        %ge3A = vector.broadcast %mul3A_175 : i32 to vector<1x1024xi32>
        %ge3A_176 = arith.cmpi sge, %add3A_171, %ge3A : vector<1x1024xi32>
        %jit3A_177 = arith.constant 0.000000e+00 : f32
        %broadcast_in_dim3A_178 = vector.broadcast %jit3A_177 : f32 to vector<1x1024xf32>
        %select_n3A_179 = arith.select %ge3A_176, %broadcast_in_dim3A_167, %broadcast_in_dim3A_178 : vector<1x1024xi1>, vector<1x1024xf32>
        %slice3A_180 = vector.extract_strided_slice %select_n3A_179 {offsets = [0, 0], sizes = [1, 128], strides = [1, 1]} : vector<1x1024xf32> to vector<1x128xf32>
        %broadcast_in_dim3A_181 = vector.shape_cast %slice3A_180 : vector<1x128xf32> to vector<1x1x128xf32>
        %get3A_182 = arith.constant 16 : index
        %get3A_183 = arith.constant 0 : index
        %get3A_184 = arith.constant 0 : index
        %get3A_185 = vector.load %arg3[%get3A_182, %get3A_183, %get3A_184] : memref<32x1x128xf32, #tpu.memory_space<vmem>>, vector<1x1x128xf32>
        %max3A_186 = arith.maximumf %get3A_185, %broadcast_in_dim3A_181 : vector<1x1x128xf32>
        %swap3A_187 = arith.constant 16 : index
        %swap3A_188 = arith.constant 0 : index
        %swap3A_189 = arith.constant 0 : index
        %swap3A_190 = vector.load %arg3[%swap3A_187, %swap3A_188, %swap3A_189] : memref<32x1x128xf32, #tpu.memory_space<vmem>>, vector<1x1x128xf32>
        tpu.vector_store %arg3[%swap3A_187, %swap3A_188, %swap3A_189], %max3A_186 {strides = array<i32>} : memref<32x1x128xf32, #tpu.memory_space<vmem>>, vector<1x1x128xf32>,
        %slice3A_191 = vector.extract_strided_slice %select_n3A_179 {offsets = [0, 128], sizes = [1, 128], strides = [1, 1]} : vector<1x1024xf32> to vector<1x128xf32>
        %broadcast_in_dim3A_192 = vector.shape_cast %slice3A_191 : vector<1x128xf32> to vector<1x1x128xf32>
        %get3A_193 = arith.constant 17 : index
        %get3A_194 = arith.constant 0 : index
        %get3A_195 = arith.constant 0 : index
        %get3A_196 = vector.load %arg3[%get3A_193, %get3A_194, %get3A_195] : memref<32x1x128xf32, #tpu.memory_space<vmem>>, vector<1x1x128xf32>
        %max3A_197 = arith.maximumf %get3A_196, %broadcast_in_dim3A_192 : vector<1x1x128xf32>
        %swap3A_198 = arith.constant 17 : index
        %swap3A_199 = arith.constant 0 : index
        %swap3A_200 = arith.constant 0 : index
        %swap3A_201 = vector.load %arg3[%swap3A_198, %swap3A_199, %swap3A_200] : memref<32x1x128xf32, #tpu.memory_space<vmem>>, vector<1x1x128xf32>
        tpu.vector_store %arg3[%swap3A_198, %swap3A_199, %swap3A_200], %max3A_197 {strides = array<i32>} : memref<32x1x128xf32, #tpu.memory_space<vmem>>, vector<1x1x128xf32>,
        %slice3A_202 = vector.extract_strided_slice %select_n3A_179 {offsets = [0, 256], sizes = [1, 128], strides = [1, 1]} : vector<1x1024xf32> to vector<1x128xf32>
        %broadcast_in_dim3A_203 = vector.shape_cast %slice3A_202 : vector<1x128xf32> to vector<1x1x128xf32>
        %get3A_204 = arith.constant 18 : index
        %get3A_205 = arith.constant 0 : index
        %get3A_206 = arith.constant 0 : index
        %get3A_207 = vector.load %arg3[%get3A_204, %get3A_205, %get3A_206] : memref<32x1x128xf32, #tpu.memory_space<vmem>>, vector<1x1x128xf32>
        %max3A_208 = arith.maximumf %get3A_207, %broadcast_in_dim3A_203 : vector<1x1x128xf32>
        %swap3A_209 = arith.constant 18 : index
        %swap3A_210 = arith.constant 0 : index
        %swap3A_211 = arith.constant 0 : index
        %swap3A_212 = vector.load %arg3[%swap3A_209, %swap3A_210, %swap3A_211] : memref<32x1x128xf32, #tpu.memory_space<vmem>>, vector<1x1x128xf32>
        tpu.vector_store %arg3[%swap3A_209, %swap3A_210, %swap3A_211], %max3A_208 {strides = array<i32>} : memref<32x1x128xf32, #tpu.memory_space<vmem>>, vector<1x1x128xf32>,
        %slice3A_213 = vector.extract_strided_slice %select_n3A_179 {offsets = [0, 384], sizes = [1, 128], strides = [1, 1]} : vector<1x1024xf32> to vector<1x128xf32>
        %broadcast_in_dim3A_214 = vector.shape_cast %slice3A_213 : vector<1x128xf32> to vector<1x1x128xf32>
        %get3A_215 = arith.constant 19 : index
        %get3A_216 = arith.constant 0 : index
        %get3A_217 = arith.constant 0 : index
        %get3A_218 = vector.load %arg3[%get3A_215, %get3A_216, %get3A_217] : memref<32x1x128xf32, #tpu.memory_space<vmem>>, vector<1x1x128xf32>
        %max3A_219 = arith.maximumf %get3A_218, %broadcast_in_dim3A_214 : vector<1x1x128xf32>
        %swap3A_220 = arith.constant 19 : index
        %swap3A_221 = arith.constant 0 : index
        %swap3A_222 = arith.constant 0 : index
        %swap3A_223 = vector.load %arg3[%swap3A_220, %swap3A_221, %swap3A_222] : memref<32x1x128xf32, #tpu.memory_space<vmem>>, vector<1x1x128xf32>
        tpu.vector_store %arg3[%swap3A_220, %swap3A_221, %swap3A_222], %max3A_219 {strides = array<i32>} : memref<32x1x128xf32, #tpu.memory_space<vmem>>, vector<1x1x128xf32>,
        %slice3A_224 = vector.extract_strided_slice %select_n3A_179 {offsets = [0, 512], sizes = [1, 128], strides = [1, 1]} : vector<1x1024xf32> to vector<1x128xf32>
        %broadcast_in_dim3A_225 = vector.shape_cast %slice3A_224 : vector<1x128xf32> to vector<1x1x128xf32>
        %get3A_226 = arith.constant 20 : index
        %get3A_227 = arith.constant 0 : index
        %get3A_228 = arith.constant 0 : index
        %get3A_229 = vector.load %arg3[%get3A_226, %get3A_227, %get3A_228] : memref<32x1x128xf32, #tpu.memory_space<vmem>>, vector<1x1x128xf32>
        %max3A_230 = arith.maximumf %get3A_229, %broadcast_in_dim3A_225 : vector<1x1x128xf32>
        %swap3A_231 = arith.constant 20 : index
        %swap3A_232 = arith.constant 0 : index
        %swap3A_233 = arith.constant 0 : index
        %swap3A_234 = vector.load %arg3[%swap3A_231, %swap3A_232, %swap3A_233] : memref<32x1x128xf32, #tpu.memory_space<vmem>>, vector<1x1x128xf32>
        tpu.vector_store %arg3[%swap3A_231, %swap3A_232, %swap3A_233], %max3A_230 {strides = array<i32>} : memref<32x1x128xf32, #tpu.memory_space<vmem>>, vector<1x1x128xf32>,
        %slice3A_235 = vector.extract_strided_slice %select_n3A_179 {offsets = [0, 640], sizes = [1, 128], strides = [1, 1]} : vector<1x1024xf32> to vector<1x128xf32>
        %broadcast_in_dim3A_236 = vector.shape_cast %slice3A_235 : vector<1x128xf32> to vector<1x1x128xf32>
        %get3A_237 = arith.constant 21 : index
        %get3A_238 = arith.constant 0 : index
        %get3A_239 = arith.constant 0 : index
        %get3A_240 = vector.load %arg3[%get3A_237, %get3A_238, %get3A_239] : memref<32x1x128xf32, #tpu.memory_space<vmem>>, vector<1x1x128xf32>
        %max3A_241 = arith.maximumf %get3A_240, %broadcast_in_dim3A_236 : vector<1x1x128xf32>
        %swap3A_242 = arith.constant 21 : index
        %swap3A_243 = arith.constant 0 : index
        %swap3A_244 = arith.constant 0 : index
        %swap3A_245 = vector.load %arg3[%swap3A_242, %swap3A_243, %swap3A_244] : memref<32x1x128xf32, #tpu.memory_space<vmem>>, vector<1x1x128xf32>
        tpu.vector_store %arg3[%swap3A_242, %swap3A_243, %swap3A_244], %max3A_241 {strides = array<i32>} : memref<32x1x128xf32, #tpu.memory_space<vmem>>, vector<1x1x128xf32>,
        %slice3A_246 = vector.extract_strided_slice %select_n3A_179 {offsets = [0, 768], sizes = [1, 128], strides = [1, 1]} : vector<1x1024xf32> to vector<1x128xf32>
        %broadcast_in_dim3A_247 = vector.shape_cast %slice3A_246 : vector<1x128xf32> to vector<1x1x128xf32>
        %get3A_248 = arith.constant 22 : index
        %get3A_249 = arith.constant 0 : index
        %get3A_250 = arith.constant 0 : index
        %get3A_251 = vector.load %arg3[%get3A_248, %get3A_249, %get3A_250] : memref<32x1x128xf32, #tpu.memory_space<vmem>>, vector<1x1x128xf32>
        %max3A_252 = arith.maximumf %get3A_251, %broadcast_in_dim3A_247 : vector<1x1x128xf32>
        %swap3A_253 = arith.constant 22 : index
        %swap3A_254 = arith.constant 0 : index
        %swap3A_255 = arith.constant 0 : index
        %swap3A_256 = vector.load %arg3[%swap3A_253, %swap3A_254, %swap3A_255] : memref<32x1x128xf32, #tpu.memory_space<vmem>>, vector<1x1x128xf32>
        tpu.vector_store %arg3[%swap3A_253, %swap3A_254, %swap3A_255], %max3A_252 {strides = array<i32>} : memref<32x1x128xf32, #tpu.memory_space<vmem>>, vector<1x1x128xf32>,
        %slice3A_257 = vector.extract_strided_slice %select_n3A_179 {offsets = [0, 896], sizes = [1, 128], strides = [1, 1]} : vector<1x1024xf32> to vector<1x128xf32>
        %broadcast_in_dim3A_258 = vector.shape_cast %slice3A_257 : vector<1x128xf32> to vector<1x1x128xf32>
        %get3A_259 = arith.constant 23 : index
        %get3A_260 = arith.constant 0 : index
        %get3A_261 = arith.constant 0 : index
        %get3A_262 = vector.load %arg3[%get3A_259, %get3A_260, %get3A_261] : memref<32x1x128xf32, #tpu.memory_space<vmem>>, vector<1x1x128xf32>
        %max3A_263 = arith.maximumf %get3A_262, %broadcast_in_dim3A_258 : vector<1x1x128xf32>
        %swap3A_264 = arith.constant 23 : index
        %swap3A_265 = arith.constant 0 : index
        %swap3A_266 = arith.constant 0 : index
        %swap3A_267 = vector.load %arg3[%swap3A_264, %swap3A_265, %swap3A_266] : memref<32x1x128xf32, #tpu.memory_space<vmem>>, vector<1x1x128xf32>
        tpu.vector_store %arg3[%swap3A_264, %swap3A_265, %swap3A_266], %max3A_263 {strides = array<i32>} : memref<32x1x128xf32, #tpu.memory_space<vmem>>, vector<1x1x128xf32>,
      } else {
      }
      %lt3A_110 = arith.constant 31 : i32
      %lt3A_111 = arith.cmpi slt, %scan3A_10, %lt3A_110 : i32
      %convert_element_type3A_112 = arith.extui %lt3A_111 : i1 to i32
      %cond3A_113 = arith.constant 0 : i32
      %cond3A_114 = arith.cmpi ne, %convert_element_type3A_112, %cond3A_113 : i32
      scf.if %cond3A_114 {
        %get3A_115 = arith.constant 0 : index
        %get3A_116 = arith.constant 3072 : index
        %get3A_117 = vector.load %arg1[%get3A_115, %get3A_116] : memref<8x4096xf32, #tpu.memory_space<vmem>>, vector<1x1024xf32>
        %get3A_118 = arith.constant 1 : index
        %get3A_119 = arith.constant 3072 : index
        %get3A_120 = vector.load %arg1[%get3A_118, %get3A_119] : memref<8x4096xf32, #tpu.memory_space<vmem>>, vector<1x1024xf32>
        %get3A_121 = arith.constant 2 : index
        %get3A_122 = arith.constant 3072 : index
        %get3A_123 = vector.load %arg1[%get3A_121, %get3A_122] : memref<8x4096xf32, #tpu.memory_space<vmem>>, vector<1x1024xf32>
        %get3A_124 = arith.constant 3 : index
        %get3A_125 = arith.constant 3072 : index
        %get3A_126 = vector.load %arg1[%get3A_124, %get3A_125] : memref<8x4096xf32, #tpu.memory_space<vmem>>, vector<1x1024xf32>
        %get3A_127 = arith.constant 5 : index
        %get3A_128 = arith.constant 3072 : index
        %get3A_129 = vector.load %arg1[%get3A_127, %get3A_128] : memref<8x4096xf32, #tpu.memory_space<vmem>>, vector<1x1024xf32>
        %min3A_130 = vector.broadcast %broadcast_in_dim3A_31 : vector<128x1xf32> to vector<128x1024xf32>
        %min3A_131 = vector.broadcast %get3A_123 : vector<1x1024xf32> to vector<128x1024xf32>
        %min3A_132 = arith.minimumf %min3A_130, %min3A_131 : vector<128x1024xf32>
        %max3A_133 = vector.broadcast %broadcast_in_dim3A_21 : vector<128x1xf32> to vector<128x1024xf32>
        %max3A_134 = vector.broadcast %get3A_117 : vector<1x1024xf32> to vector<128x1024xf32>
        %max3A_135 = arith.maximumf %max3A_133, %max3A_134 : vector<128x1024xf32>
        %sub3A_136 = arith.subf %min3A_132, %max3A_135 : vector<128x1024xf32>
        %max3A_137 = arith.constant 0.000000e+00 : f32
        %max3A_138 = vector.broadcast %max3A_137 : f32 to vector<128x1024xf32>
        %max3A_139 = arith.maximumf %sub3A_136, %max3A_138 : vector<128x1024xf32>
        %min3A_140 = vector.broadcast %broadcast_in_dim3A_36 : vector<128x1xf32> to vector<128x1024xf32>
        %min3A_141 = vector.broadcast %get3A_126 : vector<1x1024xf32> to vector<128x1024xf32>
        %min3A_142 = arith.minimumf %min3A_140, %min3A_141 : vector<128x1024xf32>
        %max3A_143 = vector.broadcast %broadcast_in_dim3A_26 : vector<128x1xf32> to vector<128x1024xf32>
        %max3A_144 = vector.broadcast %get3A_120 : vector<1x1024xf32> to vector<128x1024xf32>
        %max3A_145 = arith.maximumf %max3A_143, %max3A_144 : vector<128x1024xf32>
        %sub3A_146 = arith.subf %min3A_142, %max3A_145 : vector<128x1024xf32>
        %max3A_147 = arith.constant 0.000000e+00 : f32
        %max3A_148 = vector.broadcast %max3A_147 : f32 to vector<128x1024xf32>
        %max3A_149 = arith.maximumf %sub3A_146, %max3A_148 : vector<128x1024xf32>
        %mul3A_150 = arith.mulf %max3A_139, %max3A_149 : vector<128x1024xf32>
        %add3A_151 = vector.broadcast %broadcast_in_dim3A_41 : vector<128x1xf32> to vector<128x1024xf32>
        %add3A_152 = vector.broadcast %get3A_129 : vector<1x1024xf32> to vector<128x1024xf32>
        %add3A_153 = arith.addf %add3A_151, %add3A_152 : vector<128x1024xf32>
        %sub3A_154 = arith.subf %add3A_153, %mul3A_150 : vector<128x1024xf32>
        %max3A_155 = arith.constant 9.99999993E-9 : f32
        %max3A_156 = vector.broadcast %max3A_155 : f32 to vector<128x1024xf32>
        %max3A_157 = arith.maximumf %sub3A_154, %max3A_156 : vector<128x1024xf32>
        %mul3A_158 = arith.constant 0.699999988 : f32
        %mul3A_159 = vector.broadcast %mul3A_158 : f32 to vector<128x1024xf32>
        %mul3A_160 = arith.mulf %mul3A_159, %max3A_157 : vector<128x1024xf32>
        %gt3A_161 = arith.cmpf ogt, %mul3A_150, %mul3A_160 : vector<128x1024xf32>
        %convert_element_type3A_162 = arith.extui %gt3A_161 : vector<128x1024xi1> to vector<128x1024xi32>
        %convert_element_type3A_163 = arith.sitofp %convert_element_type3A_162 : vector<128x1024xi32> to vector<128x1024xf32>
        %mul3A_164 = vector.broadcast %while3A_85#0 : vector<128x1xf32> to vector<128x1024xf32>
        %mul3A_165 = arith.mulf %convert_element_type3A_163, %mul3A_164 : vector<128x1024xf32>
        %reduce_max3A = arith.constant dense<0xFF800000> : vector<1024xf32>
        %reduce_max3A_166 = vector.multi_reduction <maximumf>, %mul3A_165, %reduce_max3A [0] : vector<128x1024xf32> to vector<1024xf32>
        %broadcast_in_dim3A_167 = vector.shape_cast %reduce_max3A_166 : vector<1024xf32> to vector<1x1024xf32>
        %iota3A_168 = tpu.iota {dimensions = array<i32: 1>} : vector<1x1024xi32>
        %add3A_169 = arith.constant 3072 : i32
        %add3A_170 = vector.broadcast %add3A_169 : i32 to vector<1x1024xi32>
        %add3A_171 = arith.addi %add3A_170, %iota3A_168 : vector<1x1024xi32>
        %add3A_172 = arith.constant 1 : i32
        %add3A_173 = arith.addi %scan3A_10, %add3A_172 : i32
        %mul3A_174 = arith.constant 128 : i32
        %mul3A_175 = arith.muli %add3A_173, %mul3A_174 : i32
        %ge3A = vector.broadcast %mul3A_175 : i32 to vector<1x1024xi32>
        %ge3A_176 = arith.cmpi sge, %add3A_171, %ge3A : vector<1x1024xi32>
        %jit3A_177 = arith.constant 0.000000e+00 : f32
        %broadcast_in_dim3A_178 = vector.broadcast %jit3A_177 : f32 to vector<1x1024xf32>
        %select_n3A_179 = arith.select %ge3A_176, %broadcast_in_dim3A_167, %broadcast_in_dim3A_178 : vector<1x1024xi1>, vector<1x1024xf32>
        %slice3A_180 = vector.extract_strided_slice %select_n3A_179 {offsets = [0, 0], sizes = [1, 128], strides = [1, 1]} : vector<1x1024xf32> to vector<1x128xf32>
        %broadcast_in_dim3A_181 = vector.shape_cast %slice3A_180 : vector<1x128xf32> to vector<1x1x128xf32>
        %get3A_182 = arith.constant 24 : index
        %get3A_183 = arith.constant 0 : index
        %get3A_184 = arith.constant 0 : index
        %get3A_185 = vector.load %arg3[%get3A_182, %get3A_183, %get3A_184] : memref<32x1x128xf32, #tpu.memory_space<vmem>>, vector<1x1x128xf32>
        %max3A_186 = arith.maximumf %get3A_185, %broadcast_in_dim3A_181 : vector<1x1x128xf32>
        %swap3A_187 = arith.constant 24 : index
        %swap3A_188 = arith.constant 0 : index
        %swap3A_189 = arith.constant 0 : index
        %swap3A_190 = vector.load %arg3[%swap3A_187, %swap3A_188, %swap3A_189] : memref<32x1x128xf32, #tpu.memory_space<vmem>>, vector<1x1x128xf32>
        tpu.vector_store %arg3[%swap3A_187, %swap3A_188, %swap3A_189], %max3A_186 {strides = array<i32>} : memref<32x1x128xf32, #tpu.memory_space<vmem>>, vector<1x1x128xf32>,
        %slice3A_191 = vector.extract_strided_slice %select_n3A_179 {offsets = [0, 128], sizes = [1, 128], strides = [1, 1]} : vector<1x1024xf32> to vector<1x128xf32>
        %broadcast_in_dim3A_192 = vector.shape_cast %slice3A_191 : vector<1x128xf32> to vector<1x1x128xf32>
        %get3A_193 = arith.constant 25 : index
        %get3A_194 = arith.constant 0 : index
        %get3A_195 = arith.constant 0 : index
        %get3A_196 = vector.load %arg3[%get3A_193, %get3A_194, %get3A_195] : memref<32x1x128xf32, #tpu.memory_space<vmem>>, vector<1x1x128xf32>
        %max3A_197 = arith.maximumf %get3A_196, %broadcast_in_dim3A_192 : vector<1x1x128xf32>
        %swap3A_198 = arith.constant 25 : index
        %swap3A_199 = arith.constant 0 : index
        %swap3A_200 = arith.constant 0 : index
        %swap3A_201 = vector.load %arg3[%swap3A_198, %swap3A_199, %swap3A_200] : memref<32x1x128xf32, #tpu.memory_space<vmem>>, vector<1x1x128xf32>
        tpu.vector_store %arg3[%swap3A_198, %swap3A_199, %swap3A_200], %max3A_197 {strides = array<i32>} : memref<32x1x128xf32, #tpu.memory_space<vmem>>, vector<1x1x128xf32>,
        %slice3A_202 = vector.extract_strided_slice %select_n3A_179 {offsets = [0, 256], sizes = [1, 128], strides = [1, 1]} : vector<1x1024xf32> to vector<1x128xf32>
        %broadcast_in_dim3A_203 = vector.shape_cast %slice3A_202 : vector<1x128xf32> to vector<1x1x128xf32>
        %get3A_204 = arith.constant 26 : index
        %get3A_205 = arith.constant 0 : index
        %get3A_206 = arith.constant 0 : index
        %get3A_207 = vector.load %arg3[%get3A_204, %get3A_205, %get3A_206] : memref<32x1x128xf32, #tpu.memory_space<vmem>>, vector<1x1x128xf32>
        %max3A_208 = arith.maximumf %get3A_207, %broadcast_in_dim3A_203 : vector<1x1x128xf32>
        %swap3A_209 = arith.constant 26 : index
        %swap3A_210 = arith.constant 0 : index
        %swap3A_211 = arith.constant 0 : index
        %swap3A_212 = vector.load %arg3[%swap3A_209, %swap3A_210, %swap3A_211] : memref<32x1x128xf32, #tpu.memory_space<vmem>>, vector<1x1x128xf32>
        tpu.vector_store %arg3[%swap3A_209, %swap3A_210, %swap3A_211], %max3A_208 {strides = array<i32>} : memref<32x1x128xf32, #tpu.memory_space<vmem>>, vector<1x1x128xf32>,
        %slice3A_213 = vector.extract_strided_slice %select_n3A_179 {offsets = [0, 384], sizes = [1, 128], strides = [1, 1]} : vector<1x1024xf32> to vector<1x128xf32>
        %broadcast_in_dim3A_214 = vector.shape_cast %slice3A_213 : vector<1x128xf32> to vector<1x1x128xf32>
        %get3A_215 = arith.constant 27 : index
        %get3A_216 = arith.constant 0 : index
        %get3A_217 = arith.constant 0 : index
        %get3A_218 = vector.load %arg3[%get3A_215, %get3A_216, %get3A_217] : memref<32x1x128xf32, #tpu.memory_space<vmem>>, vector<1x1x128xf32>
        %max3A_219 = arith.maximumf %get3A_218, %broadcast_in_dim3A_214 : vector<1x1x128xf32>
        %swap3A_220 = arith.constant 27 : index
        %swap3A_221 = arith.constant 0 : index
        %swap3A_222 = arith.constant 0 : index
        %swap3A_223 = vector.load %arg3[%swap3A_220, %swap3A_221, %swap3A_222] : memref<32x1x128xf32, #tpu.memory_space<vmem>>, vector<1x1x128xf32>
        tpu.vector_store %arg3[%swap3A_220, %swap3A_221, %swap3A_222], %max3A_219 {strides = array<i32>} : memref<32x1x128xf32, #tpu.memory_space<vmem>>, vector<1x1x128xf32>,
        %slice3A_224 = vector.extract_strided_slice %select_n3A_179 {offsets = [0, 512], sizes = [1, 128], strides = [1, 1]} : vector<1x1024xf32> to vector<1x128xf32>
        %broadcast_in_dim3A_225 = vector.shape_cast %slice3A_224 : vector<1x128xf32> to vector<1x1x128xf32>
        %get3A_226 = arith.constant 28 : index
        %get3A_227 = arith.constant 0 : index
        %get3A_228 = arith.constant 0 : index
        %get3A_229 = vector.load %arg3[%get3A_226, %get3A_227, %get3A_228] : memref<32x1x128xf32, #tpu.memory_space<vmem>>, vector<1x1x128xf32>
        %max3A_230 = arith.maximumf %get3A_229, %broadcast_in_dim3A_225 : vector<1x1x128xf32>
        %swap3A_231 = arith.constant 28 : index
        %swap3A_232 = arith.constant 0 : index
        %swap3A_233 = arith.constant 0 : index
        %swap3A_234 = vector.load %arg3[%swap3A_231, %swap3A_232, %swap3A_233] : memref<32x1x128xf32, #tpu.memory_space<vmem>>, vector<1x1x128xf32>
        tpu.vector_store %arg3[%swap3A_231, %swap3A_232, %swap3A_233], %max3A_230 {strides = array<i32>} : memref<32x1x128xf32, #tpu.memory_space<vmem>>, vector<1x1x128xf32>,
        %slice3A_235 = vector.extract_strided_slice %select_n3A_179 {offsets = [0, 640], sizes = [1, 128], strides = [1, 1]} : vector<1x1024xf32> to vector<1x128xf32>
        %broadcast_in_dim3A_236 = vector.shape_cast %slice3A_235 : vector<1x128xf32> to vector<1x1x128xf32>
        %get3A_237 = arith.constant 29 : index
        %get3A_238 = arith.constant 0 : index
        %get3A_239 = arith.constant 0 : index
        %get3A_240 = vector.load %arg3[%get3A_237, %get3A_238, %get3A_239] : memref<32x1x128xf32, #tpu.memory_space<vmem>>, vector<1x1x128xf32>
        %max3A_241 = arith.maximumf %get3A_240, %broadcast_in_dim3A_236 : vector<1x1x128xf32>
        %swap3A_242 = arith.constant 29 : index
        %swap3A_243 = arith.constant 0 : index
        %swap3A_244 = arith.constant 0 : index
        %swap3A_245 = vector.load %arg3[%swap3A_242, %swap3A_243, %swap3A_244] : memref<32x1x128xf32, #tpu.memory_space<vmem>>, vector<1x1x128xf32>
        tpu.vector_store %arg3[%swap3A_242, %swap3A_243, %swap3A_244], %max3A_241 {strides = array<i32>} : memref<32x1x128xf32, #tpu.memory_space<vmem>>, vector<1x1x128xf32>,
        %slice3A_246 = vector.extract_strided_slice %select_n3A_179 {offsets = [0, 768], sizes = [1, 128], strides = [1, 1]} : vector<1x1024xf32> to vector<1x128xf32>
        %broadcast_in_dim3A_247 = vector.shape_cast %slice3A_246 : vector<1x128xf32> to vector<1x1x128xf32>
        %get3A_248 = arith.constant 30 : index
        %get3A_249 = arith.constant 0 : index
        %get3A_250 = arith.constant 0 : index
        %get3A_251 = vector.load %arg3[%get3A_248, %get3A_249, %get3A_250] : memref<32x1x128xf32, #tpu.memory_space<vmem>>, vector<1x1x128xf32>
        %max3A_252 = arith.maximumf %get3A_251, %broadcast_in_dim3A_247 : vector<1x1x128xf32>
        %swap3A_253 = arith.constant 30 : index
        %swap3A_254 = arith.constant 0 : index
        %swap3A_255 = arith.constant 0 : index
        %swap3A_256 = vector.load %arg3[%swap3A_253, %swap3A_254, %swap3A_255] : memref<32x1x128xf32, #tpu.memory_space<vmem>>, vector<1x1x128xf32>
        tpu.vector_store %arg3[%swap3A_253, %swap3A_254, %swap3A_255], %max3A_252 {strides = array<i32>} : memref<32x1x128xf32, #tpu.memory_space<vmem>>, vector<1x1x128xf32>,
        %slice3A_257 = vector.extract_strided_slice %select_n3A_179 {offsets = [0, 896], sizes = [1, 128], strides = [1, 1]} : vector<1x1024xf32> to vector<1x128xf32>
        %broadcast_in_dim3A_258 = vector.shape_cast %slice3A_257 : vector<1x128xf32> to vector<1x1x128xf32>
        %get3A_259 = arith.constant 31 : index
        %get3A_260 = arith.constant 0 : index
        %get3A_261 = arith.constant 0 : index
        %get3A_262 = vector.load %arg3[%get3A_259, %get3A_260, %get3A_261] : memref<32x1x128xf32, #tpu.memory_space<vmem>>, vector<1x1x128xf32>
        %max3A_263 = arith.maximumf %get3A_262, %broadcast_in_dim3A_258 : vector<1x1x128xf32>
        %swap3A_264 = arith.constant 31 : index
        %swap3A_265 = arith.constant 0 : index
        %swap3A_266 = arith.constant 0 : index
        %swap3A_267 = vector.load %arg3[%swap3A_264, %swap3A_265, %swap3A_266] : memref<32x1x128xf32, #tpu.memory_space<vmem>>, vector<1x1x128xf32>
        tpu.vector_store %arg3[%swap3A_264, %swap3A_265, %swap3A_266], %max3A_263 {strides = array<i32>} : memref<32x1x128xf32, #tpu.memory_space<vmem>>, vector<1x1x128xf32>,
      } else {
      }
    }
    %scan3A_9 = arith.constant 32 : i32
    return
  }
}

</mosaic_0001>

<sc_bundles>
// kernel: gather_offload_async_start
scs
__scs_entry_jumppad:
0x0: {  	(pc) =	sbr.rel $0x88, $3  }
0x1: {  	(tag) =	ssettag $0x0;
	lr =	simm.s32 $0x1  }
0x2: {  	[smem:$0x3F9F] =	sst lr;
	_ =	strace $0xD0000000  }
0x3: {  	_ = 	snop  }
0x4: {  	_ = 	snop  }
0x5: {  	_ = 	snop  }
0x6: {  	_ = 	snop  }
0x7: {  	_ = 	snop  }
__scs_overlays_trampoline_lowered:
0x8: {  	[smem:$0x3FAE] =	sst s0  }
0x9: {  	[smem:$0x3FAF] =	sst s1  }
0xa: {  	[smem:$0x3FB0] =	sst s2  }
0xb: {  	[smem:$0x3FB1] =	sst s3  }
0xc: {  	[smem:$0x3FB2] =	sst s4  }
0xd: {  	[smem:$0x3FB3] =	sst s5  }
0xe: {  	[smem:$0x3FB4] =	sst s6  }
0xf: {  	[smem:$0x3FB5] =	sst s7  }
0x10: {  	[smem:$0x3FB6] =	sst s8  }
0x11: {  	[smem:$0x3FB7] =	sst s9;
	s0 =	simm.s32 @!p0 $0x0  }
0x12: {  	s1 =	sld [smem:$0x3F9D];
	s0 =	simm.s32 @p0 $0x1  }
0x13: {  	[smem:$0x3FB8] =	sst s0;
	s0 =	simm.s32 @!p1 $0x0  }
0x14: {  	s2 =	sld [smem:$0x3F9C];
	s0 =	simm.s32 @p1 $0x1  }
0x15: {  	[smem:$0x3FB9] =	sst s0;
	s0 =	simm.s32 @!p2 $0x0  }
0x16: {  	s3 =	sld [smem:$0x3FDB];
	s0 =	simm.s32 @p2 $0x1  }
0x17: {  	s4 =	simm.s32 $0x1BF5;
	[smem:$0x3FBB] =	sst s0  }
0x18: {  	s0 =	sld [smem:$0x3F9E];
	_ =	swait.ge [sflag:s4], $0x0  }
0x19: {  	s7 =	sld [smem:$0x3F9F]  }
0x1a: {  	s8 =	sadd.s32 $0xFFFFE003, lr  }
0x1b: {  	s9 =	sadd.s32 $0xFFFFFEF7, lr;
	s5 =	simm.s32 $0xFFFFFFFF;
	p2 =	slt.u32 s8, $0xFFFFF086  }
0x1c: {  	p1 =	slt.u32 s9, $0xF7A;
	s5 =	simm.s32 @!p2 $0x0  }
0x1d: {  	s5 =	simm.s32 @p1 $0x1;
	p0 =	seq.s32 s7, s2  }
0x1e: {  	s7 =	smul.u32 @!p0 $0xF7A, s2;
	p2 =	seq.s32 @!p0 s5, $0x0  }
0x1f: {  	s9 =	smul.u32 $0xF7A, s1;
	s8 =	simm.s32 @!p0 $0x1BF5;
	p2 =	por !p2, p0  }
0x20: {  	[sflag:s8] =	ssyncset.s32 @!p0 $0xFFFFF086;
	s6 =	sadd.s32 @!p0 s3, s7;
	s7 =	simm.s32 @!p0 $0x108  }
0x21: {  	s3 =	sadd.s32 s3, s9;
	s6 =	sadd.s32 @!p0 $0x88, s6;
	s7 =	simm.s32 @p2 $0x1082  }
0x22: {  	[simem:s7], [sflag:s8] =	dma.local @!p0 [hbm:s6], $0xF7A  }
0x23: {  	s9 =	sor.u32 $0xD0000000, s2;
	s6 =	simm.s32 $0x108;
	_ =	swait.ge @!p0 [sflag:s8], $0x0  }
0x24: {  	s3 =	sadd.s32 $0x88, s3;
	s6 =	simm.s32 @!p1 $0x1082;
	[sflag:s4] =	ssyncset.s32 $0xFFFFF086  }
0x25: {  	[simem:s6], [sflag:s4] =	dma.local [hbm:s3], $0xF7A  }
0x26: {  	[smem:$0x3F9F] =	sst s1;
	(tag) =	ssettag s2;
	_ =	strace s9  }
0x27: {  	s1 =	sld [smem:$0x3FAF]  }
0x28: {  	s2 =	sld [smem:$0x3FB0]  }
0x29: {  	s4 =	sld [smem:$0x3FB2]  }
0x2a: {  	p0 =	seq.s32 s5, $0x0;
	s5 =	sld [smem:$0x3FB3]  }
0x2b: {  	s6 =	sld [smem:$0x3FB4]  }
0x2c: {  	s7 =	sld [smem:$0x3FB5]  }
0x2d: {  	s3 =	simm.s32 $0x108;
	s8 =	sld [smem:$0x3FB6]  }
0x2e: {  	s3 =	simm.s32 @!p0 $0x1082;
	s9 =	sld [smem:$0x3FB7]  }
0x2f: {  	lr =	sadd.s32 s0, s3;
	s0 =	sld [smem:$0x3FAE]  }
0x30: {  	s3 =	sld [smem:$0x3FB1]  }
0x31: {  	[smem:$0x3FBA] =	sst s10  }
0x32: {  	s10 =	sld [smem:$0x3FB8];
	_ =	sdelay $0x3  }
0x33: {  	p0 =	seq.s32 s10, $0x1;
	s10 =	sld [smem:$0x3FBA];
	_ =	sdelay $0x3  }
0x34: {  	[smem:$0x3FBA] =	sst s10  }
0x35: {  	s10 =	sld [smem:$0x3FB9];
	_ =	sdelay $0x3  }
0x36: {  	p1 =	seq.s32 s10, $0x1;
	s10 =	sld [smem:$0x3FBA];
	_ =	sdelay $0x3  }
0x37: {  	[smem:$0x3FBA] =	sst s10  }
0x38: {  	s10 =	sld [smem:$0x3FBB]  }
0x39: {  	_ = 	snop;
	(pc) =	sbr.ind lr, $3  }
0x3a: {  	_ = 	snop  }
0x3b: {  	_ = 	snop  }
0x3c: {  	p2 =	seq.s32 s10, $0x1;
	s10 =	sld [smem:$0x3FBA]  }
0x3d: {  	_ =	shalt  }
0x3e: {  	_ =	shalt  }
0x3f: {  	_ =	shalt  }
0x40: {  	_ =	shalt  }
0x41: {  	_ =	shalt  }
0x42: {  	_ =	shalt  }
0x43: {  	_ =	shalt  }
0x44: {  	_ =	shalt  }
0x45: {  	_ =	shalt  }
0x46: {  	_ =	shalt  }
0x47: {  	_ =	shalt  }
0x48: {  	_ =	shalt  }
0x49: {  	_ =	shalt  }
0x4a: {  	_ =	shalt  }
0x4b: {  	_ =	shalt  }
0x4c: {  	_ =	shalt  }
0x4d: {  	_ =	shalt  }
0x4e: {  	_ =	shalt  }
0x4f: {  	_ =	shalt  }
0x50: {  	_ =	shalt  }
0x51: {  	_ =	shalt  }
0x52: {  	_ =	shalt  }
0x53: {  	_ =	shalt  }
0x54: {  	_ =	shalt  }
0x55: {  	_ =	shalt  }
0x56: {  	_ =	shalt  }
0x57: {  	_ =	shalt  }
0x58: {  	_ =	shalt  }
0x59: {  	_ =	shalt  }
0x5a: {  	_ =	shalt  }
0x5b: {  	_ =	shalt  }
0x5c: {  	_ =	shalt  }
0x5d: {  	_ =	shalt  }
0x5e: {  	_ =	shalt  }
0x5f: {  	_ =	shalt  }
0x60: {  	_ =	shalt  }
0x61: {  	_ =	shalt  }
0x62: {  	_ =	shalt  }
0x63: {  	_ =	shalt  }
0x64: {  	_ =	shalt  }
0x65: {  	_ =	shalt  }
0x66: {  	_ =	shalt  }
0x67: {  	_ =	shalt  }
0x68: {  	_ =	shalt  }
0x69: {  	_ =	shalt  }
0x6a: {  	_ =	shalt  }
0x6b: {  	_ =	shalt  }
0x6c: {  	_ =	shalt  }
0x6d: {  	_ =	shalt  }
0x6e: {  	_ =	shalt  }
0x6f: {  	_ =	shalt  }
0x70: {  	_ =	shalt  }
0x71: {  	_ =	shalt  }
0x72: {  	_ =	shalt  }
0x73: {  	_ =	shalt  }
0x74: {  	_ =	shalt  }
0x75: {  	_ =	shalt  }
0x76: {  	_ =	shalt  }
0x77: {  	_ =	shalt  }
0x78: {  	_ =	shalt  }
0x79: {  	_ =	shalt  }
0x7a: {  	_ =	shalt  }
0x7b: {  	_ =	shalt  }
0x7c: {  	_ =	shalt  }
0x7d: {  	_ =	shalt  }
0x7e: {  	_ =	shalt  }
0x7f: {  	_ =	shalt  }
0x80: {  	_ =	shalt  }
0x81: {  	_ =	shalt  }
0x82: {  	_ =	shalt  }
0x83: {  	_ =	shalt  }
0x84: {  	_ =	shalt  }
0x85: {  	_ =	shalt  }
0x86: {  	_ =	shalt  }
0x87: {  	_ =	shalt  }
.Lfunc_end0:
.L_simem_size_0:
called_computation_lowered:
.L_overlay_start_0:
0x88: {  	s2 =	sld [smem:$0x3FD9]  }
0x89: {  	s3 =	sld [smem:$0x3FFE];
	_ =	sdelay $0x1  }
0x8a: {  	s1 =	srdreg.scid  }
0x8b: {  	s0 =	sand.u32 $0x1, s1  }
0x8c: {  	s16 =	sshll.u32 s0, $0xA;
	s2 =	sadd.s32 s3, s2  }
0x8d: {  	s2 =	sadd.s32 s2, s16  }
0x8e: {  	[smem:$0x3FC6] =	sst s2  }
0x8f: {  	_ = 	snop  }
0x90: {  	(tm) =	ssettm $0x1  }
0x91: {  	s17 =	sld [smem:$0x3FFB];
	_ =	sdelay $0x3  }
0x92: {  	_ =	strace s17  }
0x93: {  	s2 =	sld [smem:$0x3FFC];
	_ =	sdelay $0x3  }
0x94: {  	_ =	strace s2  }
0x95: {  	s2 =	sld [smem:$0x3FFD];
	_ =	sdelay $0x3  }
0x96: {  	_ =	strace s2  }
0x97: {  	_ =	strace $0x8FFFFFFF  }
0x98: {  	s18 =	sld [smem:$0x3FDB];
	_ =	sdelay $0x1  }
0x99: {  	s19 =	simm.s32 $_scs_section_size  }
0x9a: {  	s4 =	simm.s32 $_size__tile_overlayer_lowered;
	s5 =	simm.s32 $_tile_overlayer_lowered  }
0x9b: {  	s22 =	simm.s32 $0x1BFF;
	s21 =	sshll.u32 s5, $0x1;
	s2 =	sadd.s32 s19, s18  }
0x9c: {  	s6 =	simm.s32 $0x0;
	s20 =	sshll.u32 s4, $0x1;
	s4 =	sadd.s32 s21, s2  }
0x9d: {  	[timem:s6], [sflag:s22] =	dma.local [hbm:s4], s20  }
0x9e: {  	_ =	swait.ge [sflag:s22], s20  }
0x9f: {  	s3 =	ssub.s32 $0x0, s20;
	[sflag:s22] =	ssyncset.done $0x0  }
0xa0: {  	[sflag:s22] =	ssyncadd.s32 s3;
	_ =	sdelay $0x1  }
0xa1: {  	s23 =	simm.s32 $0x1B8B  }
0xa2: {  	_ =	swait.ge [sflag:s23], $0x1  }
0xa3: {  	[sflag:s23] =	ssyncset.done $0x0  }
0xa4: {  	s25 =	simm.s32 $0x1B8E;
	s24 =	sld [smem:$0x3FFE];
	[sflag:s23] =	ssyncadd.s32 $0xFFFFFFFF  }
0xa5: {  	s26 =	simm.s32 $execute0_lowered;
	[smem:$0x3FD2] =	sst s25  }
0xa6: {  	s4 =	sshll.u32 s26, $0x1;
	_ =	strace $0x80000046;
	[dreg:$0x1] =	wrdreg $0xFFFFFFFF  }
0xa7: {  	s28 =	simm.s32 $_size_execute0_lowered;
	s2 =	sadd.s32 s2, s4;
	[dreg:$0x0] =	wrdreg $0x0  }
0xa8: {  	s4 =	sshll.u32 s28, $0x1;
	[dreg:$0x2] =	wrdreg s2  }
0xa9: {  	[dreg:$0x3] =	wrdreg s4  }
0xaa: {  	[dreg:$0x4] =	wrdreg $0xC0  }
0xab: {  	_ =	task [dreg:s6], $0x5FFFF  }
0xac: {  	[dreg:$0x1] =	wrdreg $0xFFFFFFFF  }
0xad: {  	[dreg:$0x0] =	wrdreg $0x60  }
0xae: {  	[dreg:$0x2] =	wrdreg s24  }
0xaf: {  	[dreg:$0x3] =	wrdreg $0x9  }
0xb0: {  	_ =	task.clear_ibuf [dreg:s6], $0x4FFFF;
	_ =	strace $0x90000046  }
0xb1: {  	s29 =	simm.s32 $0x9;
	_ =	strace $0x80000048  }
0xb2: {  	_ =	swait.ge [sflag:s29], $0x1  }
0xb3: {  	[sflag:s29] =	ssyncadd.s32 $0xFFFFFFFF  }
0xb4: {  	_ =	strace $0x90000048  }
0xb5: {  	_ =	sfence  }
0xb6: {  	s30 =	sld [smem:$0x0];
	_ =	sdelay $0x2  }
0xb7: {  	s31 =	sshll.u32 s1, $0xD;
	s1 =	sshrl.u32 s1, $0x2  }
0xb8: {  	s3 =	sand.u32 $0x4000, s31;
	s1 =	sadd.s32 s1, s30  }
0xb9: {  	s0 =	sor.u32 s3, s0;
	s1 =	sshll.u32 s1, $0x11  }
0xba: {  	s0 =	sor.u32 s1, s0  }
0xbb: {  	s0 =	sadd.s32 $0x8F2B, s0  }
0xbc: {  	[sflag:s0] =	ssyncadd.remote.s32 $0x1  }
0xbd: {  	_ =	sfence.sel $0xFFFF  }
0xbe: {  	[dreg:$0x0] =	wrdreg $0xFFFFFFFF;
	(pc) =	sbr.abs _section_cstart, $3  }
0xbf: {  	[dreg:$0x1] =	wrdreg $0xFFFFFFFF  }
0xc0: {  	_ =	task.clear_ibuf [dreg:s6], $0x2FFFF;
	_ =	strace $0x9FFFFFFF  }
0xc1: {  	(tm) =	ssettm $0x7FFFFFFF  }
tec
execute0_lowered:
.L_overlay_start_1:
0x0: {  	(tag) =	ssettag $0x1  }
0x1: {  	s2 =	rddreg [dreg:$0x0]  }
0x2: {  	s0 =	rddreg [dreg:$0x1]  }
0x3: {  	s1 =	srdreg.scid;
	_ =	strace $0x80000047;
	s4 =	simm.s32 $0x1  }
0x4: {  	s9 =	simm.s32 $0x3;
	s12 =	simm.s32 $0x0;
	s5 =	sshll.u32 s1, $0x4  }
.Ltmp0:
0x5: {  	s1 =	stileid.u32;
	s5 =	sand.u32 $0x10, s5;
	(pc) =	sbr.rel .LBB2_1-.Ltmp0, $4  }
0x6: {  	s10 =	simm.s32 $0x0;
	s3 =	sadd.s32 $0x200, s2;
	s6 =	sor.u32 s1, s5  }
0x7: {  	[sflag:s4] =	ssyncpa.u1 $0x0;
	s5 =	simm.s32 $0x2;
	s6 =	sshll.u32 s6, $0x7  }
0x8: {  	s7 =	sadd.s32 $0x4E400, s2;
	[sflag:s5] =	ssyncpa.u1 $0x0;
	s8 =	sadd.s32 $0x80, s6  }
0x9: {  	vm0 =	vmmov $0xff;
	vm1 =	vcmask $0x3F20;
	[sflag:s9] =	ssyncpa.u1 $0x0;
	s9 =	simm.s32 $0x80;
	s11 =	smov.u32 s6  }
.LBB2_9:
0xa: {  	p0 =	seq.s32 s10, $0x2  }
.Ltmp1:
0xb: {  	_ = 	snop;
	(pc) =	sbr.rel @p0 .LBB2_11-.Ltmp1, $1  }
0xc: {  	_ =	sdelay $0x3  }
.LBB2_10:
0xd: {  	s12 =	sadd.s32 $0x80, s11  }
0xe: {  	s13 =	smov.u32 s6;
	p0 =	slt.s32 s12, s8  }
0xf: {  	s13 =	smov.u32 @p0 s12  }
0x10: {  	s10 =	sadd.s32 $0x1, s10;
	s12 =	smov.u32 s11;
	s11 =	smov.u32 s13  }
.LBB2_1:
0x11: {  	p0 =	sne.s32 s10, $0x0  }
.Ltmp2:
0x12: {  	_ = 	snop;
	(pc) =	sbr.rel @!p0 .LBB2_2-.Ltmp2, $1  }
0x13: {  	_ =	sdelay $0x3  }
0x14: {  	s13 =	sand.u32 $0x1, s10  }
0x15: {  	p0 =	seq.s32 s13, $0x0  }
.Ltmp3:
0x16: {  	_ = 	snop;
	(pc) =	sbr.rel @p0 .LBB2_9-.Ltmp3, $1  }
0x17: {  	_ =	sdelay $0x3  }
0x18: {  	_ =	swait.ge [sflag:s5], $0x80  }
0x19: {  	[sflag:s5] =	ssyncset.done $0x0  }
0x1a: {  	s13 =	simm.s32 $0x0;
	[sflag:s5] =	ssyncadd.s32 $0xFFFFFF80  }
0x1b: {  	v0 =	vld.msk [tilespmem:s13+$0x80 ss:$0x1], $0xffff;
	_ =	sdelay $0x4  }
0x1c: {  	vm2 =	vgt.s32 v0, $0x0  }
0x1d: {  	v0 =	vnsel vm2, $0x0, v0  }
0x1e: {  	v0 =	vmin.u32 v0, $0x4E1F  }
0x1f: {  	v0 =	vshll.u32 v0, $0x4;
	_ =	sdelay $0x3  }
0x20: {  	s13 =	simm.s32 $0x4100  }
0x21: {  	[tilespmem:s13], [sflag:$0x1] =	stream.indirect_vreg.gather [hbm:s3], $0x80, v0, vm0, $0x38;
	[tilespmem:$0x8100] =	vst v63  }
0x22: {  	s14 =	simm.s32 $0x4500;
	s31 =	simm.s32 $0x10  }
0x23: {  	[tilespmem:s14], [sflag:$0x1] =	stream.indirect_vreg.gather [hbm:s3], $0x80, v0, vm1, $0x38;
	[tilespmem:$0x8100] =	vst v63  }
0x24: {  	s14 =	simm.s32 $0x80;
	v0 =	vld.msk [tilespmem:s31+$0x80 ss:$0x1], $0xffff  }
.LBB2_5:
0x25: {  	p0 =	sne.s32 s14, $0x1C0;
	_ =	sdelay $0x4  }
0x26: {  	vm2 =	vgt.s32 v0, $0x0  }
0x27: {  	v0 =	vnsel vm2, $0x0, v0  }
0x28: {  	v0 =	vmin.u32 v0, $0x4E1F  }
0x29: {  	v0 =	vshll.u32 v0, $0x4;
	_ =	sdelay $0x3  }
.Ltmp4:
0x2a: {  	s13 =	sadd.s32 $0x800, s13;
	(pc) =	sbr.rel @p0 .LBB2_5-.Ltmp4, $4  }
0x2b: {  	[tilespmem:s13], [sflag:$0x1] =	stream.indirect_vreg.gather [hbm:s3], $0x80, v0, vm0, $0x38;
	[tilespmem:$0x8100] =	vst v63  }
0x2c: {  	s15 =	sshra.s32 s14, $0x2;
	s16 =	sadd.s32 $0x400, s13  }
0x2d: {  	[tilespmem:s16], [sflag:$0x1] =	stream.indirect_vreg.gather [hbm:s3], $0x80, v0, vm1, $0x38;
	[tilespmem:$0x8100] =	vst v63  }
0x2e: {  	s14 =	sadd.s32 $0x40, s14;
	v0 =	vld.msk [tilespmem:s15+$0x80 ss:$0x1], $0xffff  }
0x2f: {  	_ =	sdelay $0x3  }
0x30: {  	vm2 =	vgt.s32 v0, $0x0  }
0x31: {  	v0 =	vnsel vm2, $0x0, v0  }
0x32: {  	v0 =	vmin.u32 v0, $0x4E1F  }
0x33: {  	v0 =	vshll.u32 v0, $0x4;
	_ =	sdelay $0x3  }
0x34: {  	s13 =	sadd.s32 $0x800, s13  }
0x35: {  	[tilespmem:s13], [sflag:$0x1] =	stream.indirect_vreg.gather [hbm:s3], $0x80, v0, vm0, $0x38;
	[tilespmem:$0x8100] =	vst v63  }
0x36: {  	s13 =	sadd.s32 $0x400, s13  }
0x37: {  	[tilespmem:s13], [sflag:$0x1] =	stream.indirect_vreg.gather [hbm:s3], $0x80, v0, vm1, $0x38;
	[tilespmem:$0x8100] =	vst v63  }
0x38: {  	s12 =	sshll.u32 s12, $0x4;
	s14 =	simm.s32 $0x80;
	_ =	swait.ge [sflag:s4], $0x4000  }
0x39: {  	s15 =	simm.s32 $0x4500;
	s12 =	sadd.s32 s12, s7;
	[sflag:s4] =	ssyncset.done $0x0  }
0x3a: {  	s16 =	sadd.s32 $0x0, s12;
	s13 =	simm.s32 $0x4100;
	[sflag:s4] =	ssyncadd.s32 $0xFFFFC000  }
.LBB2_7:
0x3b: {  	[hbm:s16] =	stream.linear.scatter [tilespmem:s13], [sflag:$0x3], $0x400, $0x38;
	[tilespmem:$0x8100] =	vst v63  }
0x3c: {  	s16 =	smov.u32 s14;
	s13 =	smov.u32 s15;
	p0 =	sne.s32 s14, $0x780  }
.Ltmp5:
0x3d: {  	s14 =	sadd.s32 $0x80, s14;
	(pc) =	sbr.rel @p0 .LBB2_7-.Ltmp5, $2  }
0x3e: {  	_ =	sdelay $0x2  }
0x3f: {  	s15 =	sadd.s32 $0x400, s15;
	s16 =	sadd.s32 s16, s12  }
.Ltmp6:
0x40: {  	(pc) =	sbr.rel .LBB2_9-.Ltmp6, $2  }
0x41: {  	_ =	sdelay $0x2  }
0x42: {  	[hbm:s16] =	stream.linear.scatter [tilespmem:s13], [sflag:$0x3], $0x400, $0x38;
	[tilespmem:$0x8100] =	vst v63  }
.LBB2_2:
.Ltmp7:
0x43: {  	(pc) =	sbr.rel .LBB2_10-.Ltmp7, $4  }
0x44: {  	_ = 	snop  }
0x45: {  	s12 =	sshrl.u32 s11, $0x3  }
0x46: {  	s13 =	sand.u32 $0x7, s11;
	s12 =	sadd.s32 s2, s12  }
0x47: {  	[tilespmem:s9], [sflag:$0x2] =	stream.linear.gather [hbm4b:s12+s13], $0x80, $0x38;
	[tilespmem:$0x8100] =	vst v63  }
.LBB2_11:
0x48: {  	s2 =	simm.s32 $0x3  }
0x49: {  	_ =	swait.ge [sflag:s2], $0x4000  }
0x4a: {  	[sflag:s2] =	ssyncset.done $0x0  }
0x4b: {  	[sflag:s2] =	ssyncadd.s32 $0xFFFFC000  }
0x4c: {  	_ =	sfence.sel $0x180000  }
0x4d: {  	s3 =	simm.s32 $0x2;
	[bflag:$0x0] =	sbarrier.arrive $0xFFFF  }
0x4e: {  	[sflag:s3] =	ssyncpa.u1 $0x1  }
0x4f: {  	s31 =	simm.s32 $0x1;
	[sflag:s2] =	ssyncpa.u1 $0x1  }
0x50: {  	[sflag:s31] =	ssyncpa.u1 $0x1  }
0x51: {  	p0 =	sne.s32 s1, $0x0;
	_ =	strace $0x90000047  }
0x52: {  	s0 =	sadd.s32 @!p0 $0x100000, s0;
	[bflag:$0x2] =	sbarrier.arrive $0xFFFF  }
0x53: {  	[sflag:s0] =	ssyncadd.tile.s32 @!p0 $0x1;
	_ =	shalt  }
.Lfunc_end2:
_tile_overlayer_lowered:
.L_overlay_start_2:
0x54: {  	(tag) =	ssettag $0x2  }
0x55: {  	s0 =	rddreg [dreg:$0x0];
	s2 =	stileid.u32  }
0x56: {  	s1 =	rddreg [dreg:$0x1];
	p0 =	sne.s32 s2, $0x0  }
0x57: {  	s3 =	rddreg [dreg:$0x2];
	[bflag:$0x3] =	sbarrier.arrive $0xFFFF;
	s2 =	simm.s32 @!p0 $0x1C01  }
0x58: {  	[timem:s3], [sflag:s2] =	dma.local @!p0 [hbm:s0], s1  }
0x59: {  	s0 =	simm.s32 @!p0 $0x1  }
0x5a: {  	_ =	swait.ge @!p0 [sflag:s0], s1  }
0x5b: {  	s1 =	ssub.s32 @!p0 $0x0, s1;
	[sflag:s0] =	ssyncset.done @!p0 $0x0  }
0x5c: {  	[sflag:s0] =	ssyncadd.s32 @!p0 s1  }
0x5d: {  	[bflag:$0x3] =	sbarrier.arrive $0xFFFF  }
0x5e: {  	_ =	shalt  }

</sc_bundles>
